<compile_context>
chip_gen: v7x
topology: tpu7x:2x2x1
jax: 0.10.2.dev20260603
libtpu: 0.0.44.dev20260713+nightly
codegen_flags: <defaults>
</compile_context>

<pallas_src>
import functools

import jax
import jax.numpy as jnp
from jax import lax
from jax.experimental import pallas as pl
from jax.experimental.pallas import tpu as pltpu
from jax.experimental.pallas import tpu_sc as plsc

D_MODEL = 128
MAX_LEN = 366
NUM_CORES = 2
NUM_SUBCORES = 16
NUM_WORKERS = NUM_CORES * NUM_SUBCORES
GROUP = 128
K = 1
NBUF = 5


def _body(n_groups, pe_hbm, x_hbm, out_hbm, table_v, idx_v, bufs, sem, ssems):
    wid = lax.axis_index("s") * NUM_CORES + lax.axis_index("c")
    row0 = wid * n_groups

    sid = lax.axis_index("s")

    @pl.when(sid == 0)
    def _():
        pltpu.sync_copy(pe_hbm, table_v)

    pltpu.sync_copy(x_hbm.at[pl.ds(row0, n_groups)], idx_v)

    def clip_group(g):
        for c in range(0, GROUP, 16):
            v = idx_v[g, pl.ds(c, 16)]
            idx_v[g, pl.ds(c, 16)] = lax.max(lax.min(v, MAX_LEN), 1) - 1

    def fire_gathers(sg, b):
        for j in range(K):
            pltpu.async_copy(
                table_v.at[idx_v.at[sg * K + j]],
                bufs[b].at[pl.ds(j * GROUP, GROUP)],
                sem,
            )

    def wait_gathers(sg, b):
        for j in range(K):
            pltpu.make_async_copy(
                table_v.at[idx_v.at[sg * K + j]],
                bufs[b].at[pl.ds(j * GROUP, GROUP)],
                sem,
            ).wait()

    n_super = n_groups // K

    for b in range(NBUF):
        for j in range(K):
            clip_group(b * K + j)
    plsc.subcore_barrier()
    for b in range(NBUF):
        fire_gathers(b, b)

    def ring_body(i0, _):
        for b in range(NBUF):
            sg = i0 * NBUF + b
            sgn = sg + NBUF
            wait_gathers(sg, b)
            scat = pltpu.async_copy(
                bufs[b],
                out_hbm.at[pl.ds((row0 + sg * K) * GROUP, K * GROUP)],
                ssems[b],
            )

            @pl.when(sgn < n_super)
            def _():
                for j in range(K):
                    clip_group(sgn * K + j)
                scat.wait()
                fire_gathers(sgn, b)

            @pl.when(sgn >= n_super)
            def _():
                scat.wait()

        return 0

    lax.fori_loop(0, n_super // NBUF, ring_body, 0)


@functools.partial(jax.jit, static_argnames=())
def kernel(x, pe):
    b, h = x.shape
    n = b * h
    assert n % (NUM_WORKERS * GROUP) == 0
    n_groups = n // (NUM_WORKERS * GROUP)
    assert n_groups % (K * NBUF) == 0
    x2d = x.reshape(n // GROUP, GROUP)

    mesh = plsc.VectorSubcoreMesh(core_axis_name="c", subcore_axis_name="s")
    run = pl.kernel(
        functools.partial(_body, n_groups),
        mesh=mesh,
        out_type=jax.ShapeDtypeStruct((n, D_MODEL), jnp.float32),
        scratch_types=[
            pltpu.VMEM_SHARED((MAX_LEN, D_MODEL), jnp.float32),
            pltpu.VMEM((n_groups, GROUP), jnp.int32),
            [pltpu.VMEM((K * GROUP, D_MODEL), jnp.float32) for _ in range(NBUF)],
            pltpu.SemaphoreType.DMA,
            [pltpu.SemaphoreType.DMA for _ in range(NBUF)],
        ],
    )
    out = run(pe, x2d)
    return out.reshape(b, h, D_MODEL)

# --- scband reference (transcript-rebuilt; emitter-appended) ---
"""Pipeline reference for scband-positional-encoder-66468913873499 (READ-ONLY COPY).

The authoritative reference and input builder live on the scoring server;
editing this copy changes nothing except your own understanding.
"""

import jax, jax.numpy as jnp
import numpy as np
import math

D_MODEL = 128
MAX_LEN = 366
BATCH = 4096
HIST = 200

def _build_pe():
    position = np.arange(MAX_LEN, dtype=np.float32)[:, None]
    div_term = np.exp(np.arange(0, D_MODEL, 2, dtype=np.float32) * (-(math.log(10000.0) / D_MODEL)))
    pe = np.zeros((MAX_LEN, D_MODEL), dtype=np.float32)
    pe[:, 0::2] = np.sin(position * div_term)
    pe[:, 1::2] = np.cos(position * div_term)
    return jnp.asarray(pe)

def setup_inputs(seed: int = 0) -> dict:
    key = jax.random.key(seed)
    x = jax.random.randint(key, (BATCH, HIST), 0, 366, dtype=jnp.int32)
    pe = _build_pe()
    return {"x": x, "pe": pe}

def reference(x, pe):
    # x = x.long().clamp(1, max_len); out = pe[x - 1]; dropout in eval mode (identity)
    max_len = pe.shape[0]
    xi = jnp.clip(x.astype(jnp.int32), 1, max_len)
    out = jnp.take(pe, xi - 1, axis=0)
    return out

if __name__ == "__main__":
    import jax
    _d = setup_inputs()
    print(jax.jit(kernel)(*tuple(_d.values())))

</pallas_src>

<mosaic_0001>
#map = affine_map<(d0, d1) -> (0, 0)>
module attributes {stable_mosaic.version = 14 : i64} {
  func.func @_body(%arg0: i32, %arg1: i32, %arg2: memref<366x128xf32, #tpu.memory_space<hbm>>, %arg3: memref<6400x128xi32, #tpu.memory_space<hbm>>, %arg4: memref<819200x128xf32, #tpu.memory_space<hbm>>, %arg5: memref<366x128xf32, #tpu.memory_space<vmem_shared>>, %arg6: memref<200x128xi32, #tpu.memory_space<vmem>>, %arg7: memref<128x128xf32, #tpu.memory_space<vmem>>, %arg8: memref<128x128xf32, #tpu.memory_space<vmem>>, %arg9: memref<128x128xf32, #tpu.memory_space<vmem>>, %arg10: memref<128x128xf32, #tpu.memory_space<vmem>>, %arg11: memref<128x128xf32, #tpu.memory_space<vmem>>, %arg12: memref<!tpu.dma_semaphore, #tpu.memory_space<semaphore_mem>>, %arg13: memref<!tpu.dma_semaphore, #tpu.memory_space<semaphore_mem>>, %arg14: memref<!tpu.dma_semaphore, #tpu.memory_space<semaphore_mem>>, %arg15: memref<!tpu.dma_semaphore, #tpu.memory_space<semaphore_mem>>, %arg16: memref<!tpu.dma_semaphore, #tpu.memory_space<semaphore_mem>>, %arg17: memref<!tpu.dma_semaphore, #tpu.memory_space<semaphore_mem>>) attributes {dimension_semantics = [#tpu.dimension_semantics<core_parallel>, #tpu.dimension_semantics<subcore_parallel>], iteration_bounds = array<i64: 2, 16>, scalar_prefetch = 0 : i64, scratch_operands = 13 : i64, tpu.core_type = #tpu.core_type<sc_vector_subcore>, window_params = [{transform_indices = #map}, {transform_indices = #map}, {transform_indices = #map}]} {
    %mul3A = arith.constant 2 : i32
    %mul3A_0 = arith.muli %arg1, %mul3A : i32
    %add3A = arith.addi %mul3A_0, %arg0 : i32
    %mul3A_1 = arith.constant 200 : i32
    %mul3A_2 = arith.muli %add3A, %mul3A_1 : i32
    %eq3A = arith.constant 0 : i32
    %eq3A_3 = arith.cmpi eq, %arg1, %eq3A : i32
    %convert_element_type3A = arith.extui %eq3A_3 : i1 to i32
    %cond3A = arith.constant 0 : i32
    %cond3A_4 = arith.cmpi ne, %convert_element_type3A, %cond3A : i32
    scf.if %cond3A_4 {
      "tpu.region"() ({
        %run_scoped3A = tpu.sem_alloc : memref<!tpu.dma_semaphore, #tpu.memory_space<semaphore_mem>>
        tpu.enqueue_dma source(%arg2 : memref<366x128xf32, #tpu.memory_space<hbm>>) target(%arg5 : memref<366x128xf32, #tpu.memory_space<vmem_shared>>) target_semaphore(%run_scoped3A : memref<!tpu.dma_semaphore, #tpu.memory_space<semaphore_mem>>)
        tpu.wait_dma2 semaphore(%run_scoped3A : memref<!tpu.dma_semaphore, #tpu.memory_space<semaphore_mem>>) src(%arg2 : memref<366x128xf32, #tpu.memory_space<hbm>>) dst(%arg5 : memref<366x128xf32, #tpu.memory_space<vmem_shared>>)
        tpu.yield
      }) : () -> ()
    } else {
    }
    "tpu.region"() ({
      %run_scoped3A = tpu.sem_alloc : memref<!tpu.dma_semaphore, #tpu.memory_space<semaphore_mem>>
      %dma_start3A_855 = arith.constant 0 : i32
      %dma_start3A_856 = tpu.memref_slice %arg3[%mul3A_2, %dma_start3A_855] : memref<6400x128xi32, #tpu.memory_space<hbm>> -> memref<200x128xi32, #tpu.memory_space<hbm>>
      %dma_start3A_857 = arith.constant 0 : i32
      %dma_start3A_858 = tpu.memref_slice %arg3[%mul3A_2, %dma_start3A_857] : memref<6400x128xi32, #tpu.memory_space<hbm>> -> memref<200x128xi32, #tpu.memory_space<hbm>>
      tpu.enqueue_dma source(%dma_start3A_858 : memref<200x128xi32, #tpu.memory_space<hbm>>) target(%arg6 : memref<200x128xi32, #tpu.memory_space<vmem>>) target_semaphore(%run_scoped3A : memref<!tpu.dma_semaphore, #tpu.memory_space<semaphore_mem>>)
      %dma_wait3A = arith.constant 0 : i32
      %dma_wait3A_859 = tpu.memref_slice %arg3[%mul3A_2, %dma_wait3A] : memref<6400x128xi32, #tpu.memory_space<hbm>> -> memref<200x128xi32, #tpu.memory_space<hbm>>
      %dma_wait3A_860 = arith.constant 0 : i32
      %dma_wait3A_861 = tpu.memref_slice %arg3[%mul3A_2, %dma_wait3A_860] : memref<6400x128xi32, #tpu.memory_space<hbm>> -> memref<200x128xi32, #tpu.memory_space<hbm>>
      tpu.wait_dma2 semaphore(%run_scoped3A : memref<!tpu.dma_semaphore, #tpu.memory_space<semaphore_mem>>) src(%dma_wait3A_861 : memref<200x128xi32, #tpu.memory_space<hbm>>) dst(%arg6 : memref<200x128xi32, #tpu.memory_space<vmem>>)
      tpu.yield
    }) : () -> ()
    %get3A = arith.constant 0 : i32
    %get3A_5 = arith.index_cast %get3A : i32 to index
    %get3A_6 = arith.constant 0 : index
    %get3A_7 = tpu.vector_load %arg6[%get3A_5, %get3A_6] {strides = array<i32>} : memref<200x128xi32, #tpu.memory_space<vmem>>, vector<1x16xi32>,
    %get3A_8 = vector.shape_cast %get3A_7 : vector<1x16xi32> to vector<16xi32>
    %min3A = arith.constant 366 : i32
    %min3A_9 = vector.broadcast %min3A : i32 to vector<16xi32>
    %min3A_10 = arith.minsi %get3A_8, %min3A_9 : vector<16xi32>
    %max3A = arith.constant 1 : i32
    %max3A_11 = vector.broadcast %max3A : i32 to vector<16xi32>
    %max3A_12 = arith.maxsi %min3A_10, %max3A_11 : vector<16xi32>
    %sub3A = arith.constant 1 : i32
    %sub3A_13 = vector.broadcast %sub3A : i32 to vector<16xi32>
    %sub3A_14 = arith.subi %max3A_12, %sub3A_13 : vector<16xi32>
    %swap3A = arith.constant 0 : i32
    %swap3A_15 = arith.index_cast %swap3A : i32 to index
    %swap3A_16 = arith.constant 0 : index
    %swap3A_17 = tpu.vector_load %arg6[%swap3A_15, %swap3A_16] {strides = array<i32>} : memref<200x128xi32, #tpu.memory_space<vmem>>, vector<1x16xi32>,
    %swap3A_18 = vector.shape_cast %swap3A_17 : vector<1x16xi32> to vector<16xi32>
    %swap3A_19 = vector.shape_cast %sub3A_14 : vector<16xi32> to vector<1x16xi32>
    tpu.vector_store %arg6[%swap3A_15, %swap3A_16], %swap3A_19 {strides = array<i32>} : memref<200x128xi32, #tpu.memory_space<vmem>>, vector<1x16xi32>,
    %get3A_20 = arith.constant 0 : i32
    %get3A_21 = arith.index_cast %get3A_20 : i32 to index
    %get3A_22 = arith.constant 16 : index
    %get3A_23 = tpu.vector_load %arg6[%get3A_21, %get3A_22] {strides = array<i32>} : memref<200x128xi32, #tpu.memory_space<vmem>>, vector<1x16xi32>,
    %get3A_24 = vector.shape_cast %get3A_23 : vector<1x16xi32> to vector<16xi32>
    %min3A_25 = arith.constant 366 : i32
    %min3A_26 = vector.broadcast %min3A_25 : i32 to vector<16xi32>
    %min3A_27 = arith.minsi %get3A_24, %min3A_26 : vector<16xi32>
    %max3A_28 = arith.constant 1 : i32
    %max3A_29 = vector.broadcast %max3A_28 : i32 to vector<16xi32>
    %max3A_30 = arith.maxsi %min3A_27, %max3A_29 : vector<16xi32>
    %sub3A_31 = arith.constant 1 : i32
    %sub3A_32 = vector.broadcast %sub3A_31 : i32 to vector<16xi32>
    %sub3A_33 = arith.subi %max3A_30, %sub3A_32 : vector<16xi32>
    %swap3A_34 = arith.constant 0 : i32
    %swap3A_35 = arith.index_cast %swap3A_34 : i32 to index
    %swap3A_36 = arith.constant 16 : index
    %swap3A_37 = tpu.vector_load %arg6[%swap3A_35, %swap3A_36] {strides = array<i32>} : memref<200x128xi32, #tpu.memory_space<vmem>>, vector<1x16xi32>,
    %swap3A_38 = vector.shape_cast %swap3A_37 : vector<1x16xi32> to vector<16xi32>
    %swap3A_39 = vector.shape_cast %sub3A_33 : vector<16xi32> to vector<1x16xi32>
    tpu.vector_store %arg6[%swap3A_35, %swap3A_36], %swap3A_39 {strides = array<i32>} : memref<200x128xi32, #tpu.memory_space<vmem>>, vector<1x16xi32>,
    %get3A_40 = arith.constant 0 : i32
    %get3A_41 = arith.index_cast %get3A_40 : i32 to index
    %get3A_42 = arith.constant 32 : index
    %get3A_43 = tpu.vector_load %arg6[%get3A_41, %get3A_42] {strides = array<i32>} : memref<200x128xi32, #tpu.memory_space<vmem>>, vector<1x16xi32>,
    %get3A_44 = vector.shape_cast %get3A_43 : vector<1x16xi32> to vector<16xi32>
    %min3A_45 = arith.constant 366 : i32
    %min3A_46 = vector.broadcast %min3A_45 : i32 to vector<16xi32>
    %min3A_47 = arith.minsi %get3A_44, %min3A_46 : vector<16xi32>
    %max3A_48 = arith.constant 1 : i32
    %max3A_49 = vector.broadcast %max3A_48 : i32 to vector<16xi32>
    %max3A_50 = arith.maxsi %min3A_47, %max3A_49 : vector<16xi32>
    %sub3A_51 = arith.constant 1 : i32
    %sub3A_52 = vector.broadcast %sub3A_51 : i32 to vector<16xi32>
    %sub3A_53 = arith.subi %max3A_50, %sub3A_52 : vector<16xi32>
    %swap3A_54 = arith.constant 0 : i32
    %swap3A_55 = arith.index_cast %swap3A_54 : i32 to index
    %swap3A_56 = arith.constant 32 : index
    %swap3A_57 = tpu.vector_load %arg6[%swap3A_55, %swap3A_56] {strides = array<i32>} : memref<200x128xi32, #tpu.memory_space<vmem>>, vector<1x16xi32>,
    %swap3A_58 = vector.shape_cast %swap3A_57 : vector<1x16xi32> to vector<16xi32>
    %swap3A_59 = vector.shape_cast %sub3A_53 : vector<16xi32> to vector<1x16xi32>
    tpu.vector_store %arg6[%swap3A_55, %swap3A_56], %swap3A_59 {strides = array<i32>} : memref<200x128xi32, #tpu.memory_space<vmem>>, vector<1x16xi32>,
    %get3A_60 = arith.constant 0 : i32
    %get3A_61 = arith.index_cast %get3A_60 : i32 to index
    %get3A_62 = arith.constant 48 : index
    %get3A_63 = tpu.vector_load %arg6[%get3A_61, %get3A_62] {strides = array<i32>} : memref<200x128xi32, #tpu.memory_space<vmem>>, vector<1x16xi32>,
    %get3A_64 = vector.shape_cast %get3A_63 : vector<1x16xi32> to vector<16xi32>
    %min3A_65 = arith.constant 366 : i32
    %min3A_66 = vector.broadcast %min3A_65 : i32 to vector<16xi32>
    %min3A_67 = arith.minsi %get3A_64, %min3A_66 : vector<16xi32>
    %max3A_68 = arith.constant 1 : i32
    %max3A_69 = vector.broadcast %max3A_68 : i32 to vector<16xi32>
    %max3A_70 = arith.maxsi %min3A_67, %max3A_69 : vector<16xi32>
    %sub3A_71 = arith.constant 1 : i32
    %sub3A_72 = vector.broadcast %sub3A_71 : i32 to vector<16xi32>
    %sub3A_73 = arith.subi %max3A_70, %sub3A_72 : vector<16xi32>
    %swap3A_74 = arith.constant 0 : i32
    %swap3A_75 = arith.index_cast %swap3A_74 : i32 to index
    %swap3A_76 = arith.constant 48 : index
    %swap3A_77 = tpu.vector_load %arg6[%swap3A_75, %swap3A_76] {strides = array<i32>} : memref<200x128xi32, #tpu.memory_space<vmem>>, vector<1x16xi32>,
    %swap3A_78 = vector.shape_cast %swap3A_77 : vector<1x16xi32> to vector<16xi32>
    %swap3A_79 = vector.shape_cast %sub3A_73 : vector<16xi32> to vector<1x16xi32>
    tpu.vector_store %arg6[%swap3A_75, %swap3A_76], %swap3A_79 {strides = array<i32>} : memref<200x128xi32, #tpu.memory_space<vmem>>, vector<1x16xi32>,
    %get3A_80 = arith.constant 0 : i32
    %get3A_81 = arith.index_cast %get3A_80 : i32 to index
    %get3A_82 = arith.constant 64 : index
    %get3A_83 = tpu.vector_load %arg6[%get3A_81, %get3A_82] {strides = array<i32>} : memref<200x128xi32, #tpu.memory_space<vmem>>, vector<1x16xi32>,
    %get3A_84 = vector.shape_cast %get3A_83 : vector<1x16xi32> to vector<16xi32>
    %min3A_85 = arith.constant 366 : i32
    %min3A_86 = vector.broadcast %min3A_85 : i32 to vector<16xi32>
    %min3A_87 = arith.minsi %get3A_84, %min3A_86 : vector<16xi32>
    %max3A_88 = arith.constant 1 : i32
    %max3A_89 = vector.broadcast %max3A_88 : i32 to vector<16xi32>
    %max3A_90 = arith.maxsi %min3A_87, %max3A_89 : vector<16xi32>
    %sub3A_91 = arith.constant 1 : i32
    %sub3A_92 = vector.broadcast %sub3A_91 : i32 to vector<16xi32>
    %sub3A_93 = arith.subi %max3A_90, %sub3A_92 : vector<16xi32>
    %swap3A_94 = arith.constant 0 : i32
    %swap3A_95 = arith.index_cast %swap3A_94 : i32 to index
    %swap3A_96 = arith.constant 64 : index
    %swap3A_97 = tpu.vector_load %arg6[%swap3A_95, %swap3A_96] {strides = array<i32>} : memref<200x128xi32, #tpu.memory_space<vmem>>, vector<1x16xi32>,
    %swap3A_98 = vector.shape_cast %swap3A_97 : vector<1x16xi32> to vector<16xi32>
    %swap3A_99 = vector.shape_cast %sub3A_93 : vector<16xi32> to vector<1x16xi32>
    tpu.vector_store %arg6[%swap3A_95, %swap3A_96], %swap3A_99 {strides = array<i32>} : memref<200x128xi32, #tpu.memory_space<vmem>>, vector<1x16xi32>,
    %get3A_100 = arith.constant 0 : i32
    %get3A_101 = arith.index_cast %get3A_100 : i32 to index
    %get3A_102 = arith.constant 80 : index
    %get3A_103 = tpu.vector_load %arg6[%get3A_101, %get3A_102] {strides = array<i32>} : memref<200x128xi32, #tpu.memory_space<vmem>>, vector<1x16xi32>,
    %get3A_104 = vector.shape_cast %get3A_103 : vector<1x16xi32> to vector<16xi32>
    %min3A_105 = arith.constant 366 : i32
    %min3A_106 = vector.broadcast %min3A_105 : i32 to vector<16xi32>
    %min3A_107 = arith.minsi %get3A_104, %min3A_106 : vector<16xi32>
    %max3A_108 = arith.constant 1 : i32
    %max3A_109 = vector.broadcast %max3A_108 : i32 to vector<16xi32>
    %max3A_110 = arith.maxsi %min3A_107, %max3A_109 : vector<16xi32>
    %sub3A_111 = arith.constant 1 : i32
    %sub3A_112 = vector.broadcast %sub3A_111 : i32 to vector<16xi32>
    %sub3A_113 = arith.subi %max3A_110, %sub3A_112 : vector<16xi32>
    %swap3A_114 = arith.constant 0 : i32
    %swap3A_115 = arith.index_cast %swap3A_114 : i32 to index
    %swap3A_116 = arith.constant 80 : index
    %swap3A_117 = tpu.vector_load %arg6[%swap3A_115, %swap3A_116] {strides = array<i32>} : memref<200x128xi32, #tpu.memory_space<vmem>>, vector<1x16xi32>,
    %swap3A_118 = vector.shape_cast %swap3A_117 : vector<1x16xi32> to vector<16xi32>
    %swap3A_119 = vector.shape_cast %sub3A_113 : vector<16xi32> to vector<1x16xi32>
    tpu.vector_store %arg6[%swap3A_115, %swap3A_116], %swap3A_119 {strides = array<i32>} : memref<200x128xi32, #tpu.memory_space<vmem>>, vector<1x16xi32>,
    %get3A_120 = arith.constant 0 : i32
    %get3A_121 = arith.index_cast %get3A_120 : i32 to index
    %get3A_122 = arith.constant 96 : index
    %get3A_123 = tpu.vector_load %arg6[%get3A_121, %get3A_122] {strides = array<i32>} : memref<200x128xi32, #tpu.memory_space<vmem>>, vector<1x16xi32>,
    %get3A_124 = vector.shape_cast %get3A_123 : vector<1x16xi32> to vector<16xi32>
    %min3A_125 = arith.constant 366 : i32
    %min3A_126 = vector.broadcast %min3A_125 : i32 to vector<16xi32>
    %min3A_127 = arith.minsi %get3A_124, %min3A_126 : vector<16xi32>
    %max3A_128 = arith.constant 1 : i32
    %max3A_129 = vector.broadcast %max3A_128 : i32 to vector<16xi32>
    %max3A_130 = arith.maxsi %min3A_127, %max3A_129 : vector<16xi32>
    %sub3A_131 = arith.constant 1 : i32
    %sub3A_132 = vector.broadcast %sub3A_131 : i32 to vector<16xi32>
    %sub3A_133 = arith.subi %max3A_130, %sub3A_132 : vector<16xi32>
    %swap3A_134 = arith.constant 0 : i32
    %swap3A_135 = arith.index_cast %swap3A_134 : i32 to index
    %swap3A_136 = arith.constant 96 : index
    %swap3A_137 = tpu.vector_load %arg6[%swap3A_135, %swap3A_136] {strides = array<i32>} : memref<200x128xi32, #tpu.memory_space<vmem>>, vector<1x16xi32>,
    %swap3A_138 = vector.shape_cast %swap3A_137 : vector<1x16xi32> to vector<16xi32>
    %swap3A_139 = vector.shape_cast %sub3A_133 : vector<16xi32> to vector<1x16xi32>
    tpu.vector_store %arg6[%swap3A_135, %swap3A_136], %swap3A_139 {strides = array<i32>} : memref<200x128xi32, #tpu.memory_space<vmem>>, vector<1x16xi32>,
    %get3A_140 = arith.constant 0 : i32
    %get3A_141 = arith.index_cast %get3A_140 : i32 to index
    %get3A_142 = arith.constant 112 : index
    %get3A_143 = tpu.vector_load %arg6[%get3A_141, %get3A_142] {strides = array<i32>} : memref<200x128xi32, #tpu.memory_space<vmem>>, vector<1x16xi32>,
    %get3A_144 = vector.shape_cast %get3A_143 : vector<1x16xi32> to vector<16xi32>
    %min3A_145 = arith.constant 366 : i32
    %min3A_146 = vector.broadcast %min3A_145 : i32 to vector<16xi32>
    %min3A_147 = arith.minsi %get3A_144, %min3A_146 : vector<16xi32>
    %max3A_148 = arith.constant 1 : i32
    %max3A_149 = vector.broadcast %max3A_148 : i32 to vector<16xi32>
    %max3A_150 = arith.maxsi %min3A_147, %max3A_149 : vector<16xi32>
    %sub3A_151 = arith.constant 1 : i32
    %sub3A_152 = vector.broadcast %sub3A_151 : i32 to vector<16xi32>
    %sub3A_153 = arith.subi %max3A_150, %sub3A_152 : vector<16xi32>
    %swap3A_154 = arith.constant 0 : i32
    %swap3A_155 = arith.index_cast %swap3A_154 : i32 to index
    %swap3A_156 = arith.constant 112 : index
    %swap3A_157 = tpu.vector_load %arg6[%swap3A_155, %swap3A_156] {strides = array<i32>} : memref<200x128xi32, #tpu.memory_space<vmem>>, vector<1x16xi32>,
    %swap3A_158 = vector.shape_cast %swap3A_157 : vector<1x16xi32> to vector<16xi32>
    %swap3A_159 = vector.shape_cast %sub3A_153 : vector<16xi32> to vector<1x16xi32>
    tpu.vector_store %arg6[%swap3A_155, %swap3A_156], %swap3A_159 {strides = array<i32>} : memref<200x128xi32, #tpu.memory_space<vmem>>, vector<1x16xi32>,
    %get3A_160 = arith.constant 1 : i32
    %get3A_161 = arith.index_cast %get3A_160 : i32 to index
    %get3A_162 = arith.constant 0 : index
    %get3A_163 = tpu.vector_load %arg6[%get3A_161, %get3A_162] {strides = array<i32>} : memref<200x128xi32, #tpu.memory_space<vmem>>, vector<1x16xi32>,
    %get3A_164 = vector.shape_cast %get3A_163 : vector<1x16xi32> to vector<16xi32>
    %min3A_165 = arith.constant 366 : i32
    %min3A_166 = vector.broadcast %min3A_165 : i32 to vector<16xi32>
    %min3A_167 = arith.minsi %get3A_164, %min3A_166 : vector<16xi32>
    %max3A_168 = arith.constant 1 : i32
    %max3A_169 = vector.broadcast %max3A_168 : i32 to vector<16xi32>
    %max3A_170 = arith.maxsi %min3A_167, %max3A_169 : vector<16xi32>
    %sub3A_171 = arith.constant 1 : i32
    %sub3A_172 = vector.broadcast %sub3A_171 : i32 to vector<16xi32>
    %sub3A_173 = arith.subi %max3A_170, %sub3A_172 : vector<16xi32>
    %swap3A_174 = arith.constant 1 : i32
    %swap3A_175 = arith.index_cast %swap3A_174 : i32 to index
    %swap3A_176 = arith.constant 0 : index
    %swap3A_177 = tpu.vector_load %arg6[%swap3A_175, %swap3A_176] {strides = array<i32>} : memref<200x128xi32, #tpu.memory_space<vmem>>, vector<1x16xi32>,
    %swap3A_178 = vector.shape_cast %swap3A_177 : vector<1x16xi32> to vector<16xi32>
    %swap3A_179 = vector.shape_cast %sub3A_173 : vector<16xi32> to vector<1x16xi32>
    tpu.vector_store %arg6[%swap3A_175, %swap3A_176], %swap3A_179 {strides = array<i32>} : memref<200x128xi32, #tpu.memory_space<vmem>>, vector<1x16xi32>,
    %get3A_180 = arith.constant 1 : i32
    %get3A_181 = arith.index_cast %get3A_180 : i32 to index
    %get3A_182 = arith.constant 16 : index
    %get3A_183 = tpu.vector_load %arg6[%get3A_181, %get3A_182] {strides = array<i32>} : memref<200x128xi32, #tpu.memory_space<vmem>>, vector<1x16xi32>,
    %get3A_184 = vector.shape_cast %get3A_183 : vector<1x16xi32> to vector<16xi32>
    %min3A_185 = arith.constant 366 : i32
    %min3A_186 = vector.broadcast %min3A_185 : i32 to vector<16xi32>
    %min3A_187 = arith.minsi %get3A_184, %min3A_186 : vector<16xi32>
    %max3A_188 = arith.constant 1 : i32
    %max3A_189 = vector.broadcast %max3A_188 : i32 to vector<16xi32>
    %max3A_190 = arith.maxsi %min3A_187, %max3A_189 : vector<16xi32>
    %sub3A_191 = arith.constant 1 : i32
    %sub3A_192 = vector.broadcast %sub3A_191 : i32 to vector<16xi32>
    %sub3A_193 = arith.subi %max3A_190, %sub3A_192 : vector<16xi32>
    %swap3A_194 = arith.constant 1 : i32
    %swap3A_195 = arith.index_cast %swap3A_194 : i32 to index
    %swap3A_196 = arith.constant 16 : index
    %swap3A_197 = tpu.vector_load %arg6[%swap3A_195, %swap3A_196] {strides = array<i32>} : memref<200x128xi32, #tpu.memory_space<vmem>>, vector<1x16xi32>,
    %swap3A_198 = vector.shape_cast %swap3A_197 : vector<1x16xi32> to vector<16xi32>
    %swap3A_199 = vector.shape_cast %sub3A_193 : vector<16xi32> to vector<1x16xi32>
    tpu.vector_store %arg6[%swap3A_195, %swap3A_196], %swap3A_199 {strides = array<i32>} : memref<200x128xi32, #tpu.memory_space<vmem>>, vector<1x16xi32>,
    %get3A_200 = arith.constant 1 : i32
    %get3A_201 = arith.index_cast %get3A_200 : i32 to index
    %get3A_202 = arith.constant 32 : index
    %get3A_203 = tpu.vector_load %arg6[%get3A_201, %get3A_202] {strides = array<i32>} : memref<200x128xi32, #tpu.memory_space<vmem>>, vector<1x16xi32>,
    %get3A_204 = vector.shape_cast %get3A_203 : vector<1x16xi32> to vector<16xi32>
    %min3A_205 = arith.constant 366 : i32
    %min3A_206 = vector.broadcast %min3A_205 : i32 to vector<16xi32>
    %min3A_207 = arith.minsi %get3A_204, %min3A_206 : vector<16xi32>
    %max3A_208 = arith.constant 1 : i32
    %max3A_209 = vector.broadcast %max3A_208 : i32 to vector<16xi32>
    %max3A_210 = arith.maxsi %min3A_207, %max3A_209 : vector<16xi32>
    %sub3A_211 = arith.constant 1 : i32
    %sub3A_212 = vector.broadcast %sub3A_211 : i32 to vector<16xi32>
    %sub3A_213 = arith.subi %max3A_210, %sub3A_212 : vector<16xi32>
    %swap3A_214 = arith.constant 1 : i32
    %swap3A_215 = arith.index_cast %swap3A_214 : i32 to index
    %swap3A_216 = arith.constant 32 : index
    %swap3A_217 = tpu.vector_load %arg6[%swap3A_215, %swap3A_216] {strides = array<i32>} : memref<200x128xi32, #tpu.memory_space<vmem>>, vector<1x16xi32>,
    %swap3A_218 = vector.shape_cast %swap3A_217 : vector<1x16xi32> to vector<16xi32>
    %swap3A_219 = vector.shape_cast %sub3A_213 : vector<16xi32> to vector<1x16xi32>
    tpu.vector_store %arg6[%swap3A_215, %swap3A_216], %swap3A_219 {strides = array<i32>} : memref<200x128xi32, #tpu.memory_space<vmem>>, vector<1x16xi32>,
    %get3A_220 = arith.constant 1 : i32
    %get3A_221 = arith.index_cast %get3A_220 : i32 to index
    %get3A_222 = arith.constant 48 : index
    %get3A_223 = tpu.vector_load %arg6[%get3A_221, %get3A_222] {strides = array<i32>} : memref<200x128xi32, #tpu.memory_space<vmem>>, vector<1x16xi32>,
    %get3A_224 = vector.shape_cast %get3A_223 : vector<1x16xi32> to vector<16xi32>
    %min3A_225 = arith.constant 366 : i32
    %min3A_226 = vector.broadcast %min3A_225 : i32 to vector<16xi32>
    %min3A_227 = arith.minsi %get3A_224, %min3A_226 : vector<16xi32>
    %max3A_228 = arith.constant 1 : i32
    %max3A_229 = vector.broadcast %max3A_228 : i32 to vector<16xi32>
    %max3A_230 = arith.maxsi %min3A_227, %max3A_229 : vector<16xi32>
    %sub3A_231 = arith.constant 1 : i32
    %sub3A_232 = vector.broadcast %sub3A_231 : i32 to vector<16xi32>
    %sub3A_233 = arith.subi %max3A_230, %sub3A_232 : vector<16xi32>
    %swap3A_234 = arith.constant 1 : i32
    %swap3A_235 = arith.index_cast %swap3A_234 : i32 to index
    %swap3A_236 = arith.constant 48 : index
    %swap3A_237 = tpu.vector_load %arg6[%swap3A_235, %swap3A_236] {strides = array<i32>} : memref<200x128xi32, #tpu.memory_space<vmem>>, vector<1x16xi32>,
    %swap3A_238 = vector.shape_cast %swap3A_237 : vector<1x16xi32> to vector<16xi32>
    %swap3A_239 = vector.shape_cast %sub3A_233 : vector<16xi32> to vector<1x16xi32>
    tpu.vector_store %arg6[%swap3A_235, %swap3A_236], %swap3A_239 {strides = array<i32>} : memref<200x128xi32, #tpu.memory_space<vmem>>, vector<1x16xi32>,
    %get3A_240 = arith.constant 1 : i32
    %get3A_241 = arith.index_cast %get3A_240 : i32 to index
    %get3A_242 = arith.constant 64 : index
    %get3A_243 = tpu.vector_load %arg6[%get3A_241, %get3A_242] {strides = array<i32>} : memref<200x128xi32, #tpu.memory_space<vmem>>, vector<1x16xi32>,
    %get3A_244 = vector.shape_cast %get3A_243 : vector<1x16xi32> to vector<16xi32>
    %min3A_245 = arith.constant 366 : i32
    %min3A_246 = vector.broadcast %min3A_245 : i32 to vector<16xi32>
    %min3A_247 = arith.minsi %get3A_244, %min3A_246 : vector<16xi32>
    %max3A_248 = arith.constant 1 : i32
    %max3A_249 = vector.broadcast %max3A_248 : i32 to vector<16xi32>
    %max3A_250 = arith.maxsi %min3A_247, %max3A_249 : vector<16xi32>
    %sub3A_251 = arith.constant 1 : i32
    %sub3A_252 = vector.broadcast %sub3A_251 : i32 to vector<16xi32>
    %sub3A_253 = arith.subi %max3A_250, %sub3A_252 : vector<16xi32>
    %swap3A_254 = arith.constant 1 : i32
    %swap3A_255 = arith.index_cast %swap3A_254 : i32 to index
    %swap3A_256 = arith.constant 64 : index
    %swap3A_257 = tpu.vector_load %arg6[%swap3A_255, %swap3A_256] {strides = array<i32>} : memref<200x128xi32, #tpu.memory_space<vmem>>, vector<1x16xi32>,
    %swap3A_258 = vector.shape_cast %swap3A_257 : vector<1x16xi32> to vector<16xi32>
    %swap3A_259 = vector.shape_cast %sub3A_253 : vector<16xi32> to vector<1x16xi32>
    tpu.vector_store %arg6[%swap3A_255, %swap3A_256], %swap3A_259 {strides = array<i32>} : memref<200x128xi32, #tpu.memory_space<vmem>>, vector<1x16xi32>,
    %get3A_260 = arith.constant 1 : i32
    %get3A_261 = arith.index_cast %get3A_260 : i32 to index
    %get3A_262 = arith.constant 80 : index
    %get3A_263 = tpu.vector_load %arg6[%get3A_261, %get3A_262] {strides = array<i32>} : memref<200x128xi32, #tpu.memory_space<vmem>>, vector<1x16xi32>,
    %get3A_264 = vector.shape_cast %get3A_263 : vector<1x16xi32> to vector<16xi32>
    %min3A_265 = arith.constant 366 : i32
    %min3A_266 = vector.broadcast %min3A_265 : i32 to vector<16xi32>
    %min3A_267 = arith.minsi %get3A_264, %min3A_266 : vector<16xi32>
    %max3A_268 = arith.constant 1 : i32
    %max3A_269 = vector.broadcast %max3A_268 : i32 to vector<16xi32>
    %max3A_270 = arith.maxsi %min3A_267, %max3A_269 : vector<16xi32>
    %sub3A_271 = arith.constant 1 : i32
    %sub3A_272 = vector.broadcast %sub3A_271 : i32 to vector<16xi32>
    %sub3A_273 = arith.subi %max3A_270, %sub3A_272 : vector<16xi32>
    %swap3A_274 = arith.constant 1 : i32
    %swap3A_275 = arith.index_cast %swap3A_274 : i32 to index
    %swap3A_276 = arith.constant 80 : index
    %swap3A_277 = tpu.vector_load %arg6[%swap3A_275, %swap3A_276] {strides = array<i32>} : memref<200x128xi32, #tpu.memory_space<vmem>>, vector<1x16xi32>,
    %swap3A_278 = vector.shape_cast %swap3A_277 : vector<1x16xi32> to vector<16xi32>
    %swap3A_279 = vector.shape_cast %sub3A_273 : vector<16xi32> to vector<1x16xi32>
    tpu.vector_store %arg6[%swap3A_275, %swap3A_276], %swap3A_279 {strides = array<i32>} : memref<200x128xi32, #tpu.memory_space<vmem>>, vector<1x16xi32>,
    %get3A_280 = arith.constant 1 : i32
    %get3A_281 = arith.index_cast %get3A_280 : i32 to index
    %get3A_282 = arith.constant 96 : index
    %get3A_283 = tpu.vector_load %arg6[%get3A_281, %get3A_282] {strides = array<i32>} : memref<200x128xi32, #tpu.memory_space<vmem>>, vector<1x16xi32>,
    %get3A_284 = vector.shape_cast %get3A_283 : vector<1x16xi32> to vector<16xi32>
    %min3A_285 = arith.constant 366 : i32
    %min3A_286 = vector.broadcast %min3A_285 : i32 to vector<16xi32>
    %min3A_287 = arith.minsi %get3A_284, %min3A_286 : vector<16xi32>
    %max3A_288 = arith.constant 1 : i32
    %max3A_289 = vector.broadcast %max3A_288 : i32 to vector<16xi32>
    %max3A_290 = arith.maxsi %min3A_287, %max3A_289 : vector<16xi32>
    %sub3A_291 = arith.constant 1 : i32
    %sub3A_292 = vector.broadcast %sub3A_291 : i32 to vector<16xi32>
    %sub3A_293 = arith.subi %max3A_290, %sub3A_292 : vector<16xi32>
    %swap3A_294 = arith.constant 1 : i32
    %swap3A_295 = arith.index_cast %swap3A_294 : i32 to index
    %swap3A_296 = arith.constant 96 : index
    %swap3A_297 = tpu.vector_load %arg6[%swap3A_295, %swap3A_296] {strides = array<i32>} : memref<200x128xi32, #tpu.memory_space<vmem>>, vector<1x16xi32>,
    %swap3A_298 = vector.shape_cast %swap3A_297 : vector<1x16xi32> to vector<16xi32>
    %swap3A_299 = vector.shape_cast %sub3A_293 : vector<16xi32> to vector<1x16xi32>
    tpu.vector_store %arg6[%swap3A_295, %swap3A_296], %swap3A_299 {strides = array<i32>} : memref<200x128xi32, #tpu.memory_space<vmem>>, vector<1x16xi32>,
    %get3A_300 = arith.constant 1 : i32
    %get3A_301 = arith.index_cast %get3A_300 : i32 to index
    %get3A_302 = arith.constant 112 : index
    %get3A_303 = tpu.vector_load %arg6[%get3A_301, %get3A_302] {strides = array<i32>} : memref<200x128xi32, #tpu.memory_space<vmem>>, vector<1x16xi32>,
    %get3A_304 = vector.shape_cast %get3A_303 : vector<1x16xi32> to vector<16xi32>
    %min3A_305 = arith.constant 366 : i32
    %min3A_306 = vector.broadcast %min3A_305 : i32 to vector<16xi32>
    %min3A_307 = arith.minsi %get3A_304, %min3A_306 : vector<16xi32>
    %max3A_308 = arith.constant 1 : i32
    %max3A_309 = vector.broadcast %max3A_308 : i32 to vector<16xi32>
    %max3A_310 = arith.maxsi %min3A_307, %max3A_309 : vector<16xi32>
    %sub3A_311 = arith.constant 1 : i32
    %sub3A_312 = vector.broadcast %sub3A_311 : i32 to vector<16xi32>
    %sub3A_313 = arith.subi %max3A_310, %sub3A_312 : vector<16xi32>
    %swap3A_314 = arith.constant 1 : i32
    %swap3A_315 = arith.index_cast %swap3A_314 : i32 to index
    %swap3A_316 = arith.constant 112 : index
    %swap3A_317 = tpu.vector_load %arg6[%swap3A_315, %swap3A_316] {strides = array<i32>} : memref<200x128xi32, #tpu.memory_space<vmem>>, vector<1x16xi32>,
    %swap3A_318 = vector.shape_cast %swap3A_317 : vector<1x16xi32> to vector<16xi32>
    %swap3A_319 = vector.shape_cast %sub3A_313 : vector<16xi32> to vector<1x16xi32>
    tpu.vector_store %arg6[%swap3A_315, %swap3A_316], %swap3A_319 {strides = array<i32>} : memref<200x128xi32, #tpu.memory_space<vmem>>, vector<1x16xi32>,
    %get3A_320 = arith.constant 2 : i32
    %get3A_321 = arith.index_cast %get3A_320 : i32 to index
    %get3A_322 = arith.constant 0 : index
    %get3A_323 = tpu.vector_load %arg6[%get3A_321, %get3A_322] {strides = array<i32>} : memref<200x128xi32, #tpu.memory_space<vmem>>, vector<1x16xi32>,
    %get3A_324 = vector.shape_cast %get3A_323 : vector<1x16xi32> to vector<16xi32>
    %min3A_325 = arith.constant 366 : i32
    %min3A_326 = vector.broadcast %min3A_325 : i32 to vector<16xi32>
    %min3A_327 = arith.minsi %get3A_324, %min3A_326 : vector<16xi32>
    %max3A_328 = arith.constant 1 : i32
    %max3A_329 = vector.broadcast %max3A_328 : i32 to vector<16xi32>
    %max3A_330 = arith.maxsi %min3A_327, %max3A_329 : vector<16xi32>
    %sub3A_331 = arith.constant 1 : i32
    %sub3A_332 = vector.broadcast %sub3A_331 : i32 to vector<16xi32>
    %sub3A_333 = arith.subi %max3A_330, %sub3A_332 : vector<16xi32>
    %swap3A_334 = arith.constant 2 : i32
    %swap3A_335 = arith.index_cast %swap3A_334 : i32 to index
    %swap3A_336 = arith.constant 0 : index
    %swap3A_337 = tpu.vector_load %arg6[%swap3A_335, %swap3A_336] {strides = array<i32>} : memref<200x128xi32, #tpu.memory_space<vmem>>, vector<1x16xi32>,
    %swap3A_338 = vector.shape_cast %swap3A_337 : vector<1x16xi32> to vector<16xi32>
    %swap3A_339 = vector.shape_cast %sub3A_333 : vector<16xi32> to vector<1x16xi32>
    tpu.vector_store %arg6[%swap3A_335, %swap3A_336], %swap3A_339 {strides = array<i32>} : memref<200x128xi32, #tpu.memory_space<vmem>>, vector<1x16xi32>,
    %get3A_340 = arith.constant 2 : i32
    %get3A_341 = arith.index_cast %get3A_340 : i32 to index
    %get3A_342 = arith.constant 16 : index
    %get3A_343 = tpu.vector_load %arg6[%get3A_341, %get3A_342] {strides = array<i32>} : memref<200x128xi32, #tpu.memory_space<vmem>>, vector<1x16xi32>,
    %get3A_344 = vector.shape_cast %get3A_343 : vector<1x16xi32> to vector<16xi32>
    %min3A_345 = arith.constant 366 : i32
    %min3A_346 = vector.broadcast %min3A_345 : i32 to vector<16xi32>
    %min3A_347 = arith.minsi %get3A_344, %min3A_346 : vector<16xi32>
    %max3A_348 = arith.constant 1 : i32
    %max3A_349 = vector.broadcast %max3A_348 : i32 to vector<16xi32>
    %max3A_350 = arith.maxsi %min3A_347, %max3A_349 : vector<16xi32>
    %sub3A_351 = arith.constant 1 : i32
    %sub3A_352 = vector.broadcast %sub3A_351 : i32 to vector<16xi32>
    %sub3A_353 = arith.subi %max3A_350, %sub3A_352 : vector<16xi32>
    %swap3A_354 = arith.constant 2 : i32
    %swap3A_355 = arith.index_cast %swap3A_354 : i32 to index
    %swap3A_356 = arith.constant 16 : index
    %swap3A_357 = tpu.vector_load %arg6[%swap3A_355, %swap3A_356] {strides = array<i32>} : memref<200x128xi32, #tpu.memory_space<vmem>>, vector<1x16xi32>,
    %swap3A_358 = vector.shape_cast %swap3A_357 : vector<1x16xi32> to vector<16xi32>
    %swap3A_359 = vector.shape_cast %sub3A_353 : vector<16xi32> to vector<1x16xi32>
    tpu.vector_store %arg6[%swap3A_355, %swap3A_356], %swap3A_359 {strides = array<i32>} : memref<200x128xi32, #tpu.memory_space<vmem>>, vector<1x16xi32>,
    %get3A_360 = arith.constant 2 : i32
    %get3A_361 = arith.index_cast %get3A_360 : i32 to index
    %get3A_362 = arith.constant 32 : index
    %get3A_363 = tpu.vector_load %arg6[%get3A_361, %get3A_362] {strides = array<i32>} : memref<200x128xi32, #tpu.memory_space<vmem>>, vector<1x16xi32>,
    %get3A_364 = vector.shape_cast %get3A_363 : vector<1x16xi32> to vector<16xi32>
    %min3A_365 = arith.constant 366 : i32
    %min3A_366 = vector.broadcast %min3A_365 : i32 to vector<16xi32>
    %min3A_367 = arith.minsi %get3A_364, %min3A_366 : vector<16xi32>
    %max3A_368 = arith.constant 1 : i32
    %max3A_369 = vector.broadcast %max3A_368 : i32 to vector<16xi32>
    %max3A_370 = arith.maxsi %min3A_367, %max3A_369 : vector<16xi32>
    %sub3A_371 = arith.constant 1 : i32
    %sub3A_372 = vector.broadcast %sub3A_371 : i32 to vector<16xi32>
    %sub3A_373 = arith.subi %max3A_370, %sub3A_372 : vector<16xi32>
    %swap3A_374 = arith.constant 2 : i32
    %swap3A_375 = arith.index_cast %swap3A_374 : i32 to index
    %swap3A_376 = arith.constant 32 : index
    %swap3A_377 = tpu.vector_load %arg6[%swap3A_375, %swap3A_376] {strides = array<i32>} : memref<200x128xi32, #tpu.memory_space<vmem>>, vector<1x16xi32>,
    %swap3A_378 = vector.shape_cast %swap3A_377 : vector<1x16xi32> to vector<16xi32>
    %swap3A_379 = vector.shape_cast %sub3A_373 : vector<16xi32> to vector<1x16xi32>
    tpu.vector_store %arg6[%swap3A_375, %swap3A_376], %swap3A_379 {strides = array<i32>} : memref<200x128xi32, #tpu.memory_space<vmem>>, vector<1x16xi32>,
    %get3A_380 = arith.constant 2 : i32
    %get3A_381 = arith.index_cast %get3A_380 : i32 to index
    %get3A_382 = arith.constant 48 : index
    %get3A_383 = tpu.vector_load %arg6[%get3A_381, %get3A_382] {strides = array<i32>} : memref<200x128xi32, #tpu.memory_space<vmem>>, vector<1x16xi32>,
    %get3A_384 = vector.shape_cast %get3A_383 : vector<1x16xi32> to vector<16xi32>
    %min3A_385 = arith.constant 366 : i32
    %min3A_386 = vector.broadcast %min3A_385 : i32 to vector<16xi32>
    %min3A_387 = arith.minsi %get3A_384, %min3A_386 : vector<16xi32>
    %max3A_388 = arith.constant 1 : i32
    %max3A_389 = vector.broadcast %max3A_388 : i32 to vector<16xi32>
    %max3A_390 = arith.maxsi %min3A_387, %max3A_389 : vector<16xi32>
    %sub3A_391 = arith.constant 1 : i32
    %sub3A_392 = vector.broadcast %sub3A_391 : i32 to vector<16xi32>
    %sub3A_393 = arith.subi %max3A_390, %sub3A_392 : vector<16xi32>
    %swap3A_394 = arith.constant 2 : i32
    %swap3A_395 = arith.index_cast %swap3A_394 : i32 to index
    %swap3A_396 = arith.constant 48 : index
    %swap3A_397 = tpu.vector_load %arg6[%swap3A_395, %swap3A_396] {strides = array<i32>} : memref<200x128xi32, #tpu.memory_space<vmem>>, vector<1x16xi32>,
    %swap3A_398 = vector.shape_cast %swap3A_397 : vector<1x16xi32> to vector<16xi32>
    %swap3A_399 = vector.shape_cast %sub3A_393 : vector<16xi32> to vector<1x16xi32>
    tpu.vector_store %arg6[%swap3A_395, %swap3A_396], %swap3A_399 {strides = array<i32>} : memref<200x128xi32, #tpu.memory_space<vmem>>, vector<1x16xi32>,
    %get3A_400 = arith.constant 2 : i32
    %get3A_401 = arith.index_cast %get3A_400 : i32 to index
    %get3A_402 = arith.constant 64 : index
    %get3A_403 = tpu.vector_load %arg6[%get3A_401, %get3A_402] {strides = array<i32>} : memref<200x128xi32, #tpu.memory_space<vmem>>, vector<1x16xi32>,
    %get3A_404 = vector.shape_cast %get3A_403 : vector<1x16xi32> to vector<16xi32>
    %min3A_405 = arith.constant 366 : i32
    %min3A_406 = vector.broadcast %min3A_405 : i32 to vector<16xi32>
    %min3A_407 = arith.minsi %get3A_404, %min3A_406 : vector<16xi32>
    %max3A_408 = arith.constant 1 : i32
    %max3A_409 = vector.broadcast %max3A_408 : i32 to vector<16xi32>
    %max3A_410 = arith.maxsi %min3A_407, %max3A_409 : vector<16xi32>
    %sub3A_411 = arith.constant 1 : i32
    %sub3A_412 = vector.broadcast %sub3A_411 : i32 to vector<16xi32>
    %sub3A_413 = arith.subi %max3A_410, %sub3A_412 : vector<16xi32>
    %swap3A_414 = arith.constant 2 : i32
    %swap3A_415 = arith.index_cast %swap3A_414 : i32 to index
    %swap3A_416 = arith.constant 64 : index
    %swap3A_417 = tpu.vector_load %arg6[%swap3A_415, %swap3A_416] {strides = array<i32>} : memref<200x128xi32, #tpu.memory_space<vmem>>, vector<1x16xi32>,
    %swap3A_418 = vector.shape_cast %swap3A_417 : vector<1x16xi32> to vector<16xi32>
    %swap3A_419 = vector.shape_cast %sub3A_413 : vector<16xi32> to vector<1x16xi32>
    tpu.vector_store %arg6[%swap3A_415, %swap3A_416], %swap3A_419 {strides = array<i32>} : memref<200x128xi32, #tpu.memory_space<vmem>>, vector<1x16xi32>,
    %get3A_420 = arith.constant 2 : i32
    %get3A_421 = arith.index_cast %get3A_420 : i32 to index
    %get3A_422 = arith.constant 80 : index
    %get3A_423 = tpu.vector_load %arg6[%get3A_421, %get3A_422] {strides = array<i32>} : memref<200x128xi32, #tpu.memory_space<vmem>>, vector<1x16xi32>,
    %get3A_424 = vector.shape_cast %get3A_423 : vector<1x16xi32> to vector<16xi32>
    %min3A_425 = arith.constant 366 : i32
    %min3A_426 = vector.broadcast %min3A_425 : i32 to vector<16xi32>
    %min3A_427 = arith.minsi %get3A_424, %min3A_426 : vector<16xi32>
    %max3A_428 = arith.constant 1 : i32
    %max3A_429 = vector.broadcast %max3A_428 : i32 to vector<16xi32>
    %max3A_430 = arith.maxsi %min3A_427, %max3A_429 : vector<16xi32>
    %sub3A_431 = arith.constant 1 : i32
    %sub3A_432 = vector.broadcast %sub3A_431 : i32 to vector<16xi32>
    %sub3A_433 = arith.subi %max3A_430, %sub3A_432 : vector<16xi32>
    %swap3A_434 = arith.constant 2 : i32
    %swap3A_435 = arith.index_cast %swap3A_434 : i32 to index
    %swap3A_436 = arith.constant 80 : index
    %swap3A_437 = tpu.vector_load %arg6[%swap3A_435, %swap3A_436] {strides = array<i32>} : memref<200x128xi32, #tpu.memory_space<vmem>>, vector<1x16xi32>,
    %swap3A_438 = vector.shape_cast %swap3A_437 : vector<1x16xi32> to vector<16xi32>
    %swap3A_439 = vector.shape_cast %sub3A_433 : vector<16xi32> to vector<1x16xi32>
    tpu.vector_store %arg6[%swap3A_435, %swap3A_436], %swap3A_439 {strides = array<i32>} : memref<200x128xi32, #tpu.memory_space<vmem>>, vector<1x16xi32>,
    %get3A_440 = arith.constant 2 : i32
    %get3A_441 = arith.index_cast %get3A_440 : i32 to index
    %get3A_442 = arith.constant 96 : index
    %get3A_443 = tpu.vector_load %arg6[%get3A_441, %get3A_442] {strides = array<i32>} : memref<200x128xi32, #tpu.memory_space<vmem>>, vector<1x16xi32>,
    %get3A_444 = vector.shape_cast %get3A_443 : vector<1x16xi32> to vector<16xi32>
    %min3A_445 = arith.constant 366 : i32
    %min3A_446 = vector.broadcast %min3A_445 : i32 to vector<16xi32>
    %min3A_447 = arith.minsi %get3A_444, %min3A_446 : vector<16xi32>
    %max3A_448 = arith.constant 1 : i32
    %max3A_449 = vector.broadcast %max3A_448 : i32 to vector<16xi32>
    %max3A_450 = arith.maxsi %min3A_447, %max3A_449 : vector<16xi32>
    %sub3A_451 = arith.constant 1 : i32
    %sub3A_452 = vector.broadcast %sub3A_451 : i32 to vector<16xi32>
    %sub3A_453 = arith.subi %max3A_450, %sub3A_452 : vector<16xi32>
    %swap3A_454 = arith.constant 2 : i32
    %swap3A_455 = arith.index_cast %swap3A_454 : i32 to index
    %swap3A_456 = arith.constant 96 : index
    %swap3A_457 = tpu.vector_load %arg6[%swap3A_455, %swap3A_456] {strides = array<i32>} : memref<200x128xi32, #tpu.memory_space<vmem>>, vector<1x16xi32>,
    %swap3A_458 = vector.shape_cast %swap3A_457 : vector<1x16xi32> to vector<16xi32>
    %swap3A_459 = vector.shape_cast %sub3A_453 : vector<16xi32> to vector<1x16xi32>
    tpu.vector_store %arg6[%swap3A_455, %swap3A_456], %swap3A_459 {strides = array<i32>} : memref<200x128xi32, #tpu.memory_space<vmem>>, vector<1x16xi32>,
    %get3A_460 = arith.constant 2 : i32
    %get3A_461 = arith.index_cast %get3A_460 : i32 to index
    %get3A_462 = arith.constant 112 : index
    %get3A_463 = tpu.vector_load %arg6[%get3A_461, %get3A_462] {strides = array<i32>} : memref<200x128xi32, #tpu.memory_space<vmem>>, vector<1x16xi32>,
    %get3A_464 = vector.shape_cast %get3A_463 : vector<1x16xi32> to vector<16xi32>
    %min3A_465 = arith.constant 366 : i32
    %min3A_466 = vector.broadcast %min3A_465 : i32 to vector<16xi32>
    %min3A_467 = arith.minsi %get3A_464, %min3A_466 : vector<16xi32>
    %max3A_468 = arith.constant 1 : i32
    %max3A_469 = vector.broadcast %max3A_468 : i32 to vector<16xi32>
    %max3A_470 = arith.maxsi %min3A_467, %max3A_469 : vector<16xi32>
    %sub3A_471 = arith.constant 1 : i32
    %sub3A_472 = vector.broadcast %sub3A_471 : i32 to vector<16xi32>
    %sub3A_473 = arith.subi %max3A_470, %sub3A_472 : vector<16xi32>
    %swap3A_474 = arith.constant 2 : i32
    %swap3A_475 = arith.index_cast %swap3A_474 : i32 to index
    %swap3A_476 = arith.constant 112 : index
    %swap3A_477 = tpu.vector_load %arg6[%swap3A_475, %swap3A_476] {strides = array<i32>} : memref<200x128xi32, #tpu.memory_space<vmem>>, vector<1x16xi32>,
    %swap3A_478 = vector.shape_cast %swap3A_477 : vector<1x16xi32> to vector<16xi32>
    %swap3A_479 = vector.shape_cast %sub3A_473 : vector<16xi32> to vector<1x16xi32>
    tpu.vector_store %arg6[%swap3A_475, %swap3A_476], %swap3A_479 {strides = array<i32>} : memref<200x128xi32, #tpu.memory_space<vmem>>, vector<1x16xi32>,
    %get3A_480 = arith.constant 3 : i32
    %get3A_481 = arith.index_cast %get3A_480 : i32 to index
    %get3A_482 = arith.constant 0 : index
    %get3A_483 = tpu.vector_load %arg6[%get3A_481, %get3A_482] {strides = array<i32>} : memref<200x128xi32, #tpu.memory_space<vmem>>, vector<1x16xi32>,
    %get3A_484 = vector.shape_cast %get3A_483 : vector<1x16xi32> to vector<16xi32>
    %min3A_485 = arith.constant 366 : i32
    %min3A_486 = vector.broadcast %min3A_485 : i32 to vector<16xi32>
    %min3A_487 = arith.minsi %get3A_484, %min3A_486 : vector<16xi32>
    %max3A_488 = arith.constant 1 : i32
    %max3A_489 = vector.broadcast %max3A_488 : i32 to vector<16xi32>
    %max3A_490 = arith.maxsi %min3A_487, %max3A_489 : vector<16xi32>
    %sub3A_491 = arith.constant 1 : i32
    %sub3A_492 = vector.broadcast %sub3A_491 : i32 to vector<16xi32>
    %sub3A_493 = arith.subi %max3A_490, %sub3A_492 : vector<16xi32>
    %swap3A_494 = arith.constant 3 : i32
    %swap3A_495 = arith.index_cast %swap3A_494 : i32 to index
    %swap3A_496 = arith.constant 0 : index
    %swap3A_497 = tpu.vector_load %arg6[%swap3A_495, %swap3A_496] {strides = array<i32>} : memref<200x128xi32, #tpu.memory_space<vmem>>, vector<1x16xi32>,
    %swap3A_498 = vector.shape_cast %swap3A_497 : vector<1x16xi32> to vector<16xi32>
    %swap3A_499 = vector.shape_cast %sub3A_493 : vector<16xi32> to vector<1x16xi32>
    tpu.vector_store %arg6[%swap3A_495, %swap3A_496], %swap3A_499 {strides = array<i32>} : memref<200x128xi32, #tpu.memory_space<vmem>>, vector<1x16xi32>,
    %get3A_500 = arith.constant 3 : i32
    %get3A_501 = arith.index_cast %get3A_500 : i32 to index
    %get3A_502 = arith.constant 16 : index
    %get3A_503 = tpu.vector_load %arg6[%get3A_501, %get3A_502] {strides = array<i32>} : memref<200x128xi32, #tpu.memory_space<vmem>>, vector<1x16xi32>,
    %get3A_504 = vector.shape_cast %get3A_503 : vector<1x16xi32> to vector<16xi32>
    %min3A_505 = arith.constant 366 : i32
    %min3A_506 = vector.broadcast %min3A_505 : i32 to vector<16xi32>
    %min3A_507 = arith.minsi %get3A_504, %min3A_506 : vector<16xi32>
    %max3A_508 = arith.constant 1 : i32
    %max3A_509 = vector.broadcast %max3A_508 : i32 to vector<16xi32>
    %max3A_510 = arith.maxsi %min3A_507, %max3A_509 : vector<16xi32>
    %sub3A_511 = arith.constant 1 : i32
    %sub3A_512 = vector.broadcast %sub3A_511 : i32 to vector<16xi32>
    %sub3A_513 = arith.subi %max3A_510, %sub3A_512 : vector<16xi32>
    %swap3A_514 = arith.constant 3 : i32
    %swap3A_515 = arith.index_cast %swap3A_514 : i32 to index
    %swap3A_516 = arith.constant 16 : index
    %swap3A_517 = tpu.vector_load %arg6[%swap3A_515, %swap3A_516] {strides = array<i32>} : memref<200x128xi32, #tpu.memory_space<vmem>>, vector<1x16xi32>,
    %swap3A_518 = vector.shape_cast %swap3A_517 : vector<1x16xi32> to vector<16xi32>
    %swap3A_519 = vector.shape_cast %sub3A_513 : vector<16xi32> to vector<1x16xi32>
    tpu.vector_store %arg6[%swap3A_515, %swap3A_516], %swap3A_519 {strides = array<i32>} : memref<200x128xi32, #tpu.memory_space<vmem>>, vector<1x16xi32>,
    %get3A_520 = arith.constant 3 : i32
    %get3A_521 = arith.index_cast %get3A_520 : i32 to index
    %get3A_522 = arith.constant 32 : index
    %get3A_523 = tpu.vector_load %arg6[%get3A_521, %get3A_522] {strides = array<i32>} : memref<200x128xi32, #tpu.memory_space<vmem>>, vector<1x16xi32>,
    %get3A_524 = vector.shape_cast %get3A_523 : vector<1x16xi32> to vector<16xi32>
    %min3A_525 = arith.constant 366 : i32
    %min3A_526 = vector.broadcast %min3A_525 : i32 to vector<16xi32>
    %min3A_527 = arith.minsi %get3A_524, %min3A_526 : vector<16xi32>
    %max3A_528 = arith.constant 1 : i32
    %max3A_529 = vector.broadcast %max3A_528 : i32 to vector<16xi32>
    %max3A_530 = arith.maxsi %min3A_527, %max3A_529 : vector<16xi32>
    %sub3A_531 = arith.constant 1 : i32
    %sub3A_532 = vector.broadcast %sub3A_531 : i32 to vector<16xi32>
    %sub3A_533 = arith.subi %max3A_530, %sub3A_532 : vector<16xi32>
    %swap3A_534 = arith.constant 3 : i32
    %swap3A_535 = arith.index_cast %swap3A_534 : i32 to index
    %swap3A_536 = arith.constant 32 : index
    %swap3A_537 = tpu.vector_load %arg6[%swap3A_535, %swap3A_536] {strides = array<i32>} : memref<200x128xi32, #tpu.memory_space<vmem>>, vector<1x16xi32>,
    %swap3A_538 = vector.shape_cast %swap3A_537 : vector<1x16xi32> to vector<16xi32>
    %swap3A_539 = vector.shape_cast %sub3A_533 : vector<16xi32> to vector<1x16xi32>
    tpu.vector_store %arg6[%swap3A_535, %swap3A_536], %swap3A_539 {strides = array<i32>} : memref<200x128xi32, #tpu.memory_space<vmem>>, vector<1x16xi32>,
    %get3A_540 = arith.constant 3 : i32
    %get3A_541 = arith.index_cast %get3A_540 : i32 to index
    %get3A_542 = arith.constant 48 : index
    %get3A_543 = tpu.vector_load %arg6[%get3A_541, %get3A_542] {strides = array<i32>} : memref<200x128xi32, #tpu.memory_space<vmem>>, vector<1x16xi32>,
    %get3A_544 = vector.shape_cast %get3A_543 : vector<1x16xi32> to vector<16xi32>
    %min3A_545 = arith.constant 366 : i32
    %min3A_546 = vector.broadcast %min3A_545 : i32 to vector<16xi32>
    %min3A_547 = arith.minsi %get3A_544, %min3A_546 : vector<16xi32>
    %max3A_548 = arith.constant 1 : i32
    %max3A_549 = vector.broadcast %max3A_548 : i32 to vector<16xi32>
    %max3A_550 = arith.maxsi %min3A_547, %max3A_549 : vector<16xi32>
    %sub3A_551 = arith.constant 1 : i32
    %sub3A_552 = vector.broadcast %sub3A_551 : i32 to vector<16xi32>
    %sub3A_553 = arith.subi %max3A_550, %sub3A_552 : vector<16xi32>
    %swap3A_554 = arith.constant 3 : i32
    %swap3A_555 = arith.index_cast %swap3A_554 : i32 to index
    %swap3A_556 = arith.constant 48 : index
    %swap3A_557 = tpu.vector_load %arg6[%swap3A_555, %swap3A_556] {strides = array<i32>} : memref<200x128xi32, #tpu.memory_space<vmem>>, vector<1x16xi32>,
    %swap3A_558 = vector.shape_cast %swap3A_557 : vector<1x16xi32> to vector<16xi32>
    %swap3A_559 = vector.shape_cast %sub3A_553 : vector<16xi32> to vector<1x16xi32>
    tpu.vector_store %arg6[%swap3A_555, %swap3A_556], %swap3A_559 {strides = array<i32>} : memref<200x128xi32, #tpu.memory_space<vmem>>, vector<1x16xi32>,
    %get3A_560 = arith.constant 3 : i32
    %get3A_561 = arith.index_cast %get3A_560 : i32 to index
    %get3A_562 = arith.constant 64 : index
    %get3A_563 = tpu.vector_load %arg6[%get3A_561, %get3A_562] {strides = array<i32>} : memref<200x128xi32, #tpu.memory_space<vmem>>, vector<1x16xi32>,
    %get3A_564 = vector.shape_cast %get3A_563 : vector<1x16xi32> to vector<16xi32>
    %min3A_565 = arith.constant 366 : i32
    %min3A_566 = vector.broadcast %min3A_565 : i32 to vector<16xi32>
    %min3A_567 = arith.minsi %get3A_564, %min3A_566 : vector<16xi32>
    %max3A_568 = arith.constant 1 : i32
    %max3A_569 = vector.broadcast %max3A_568 : i32 to vector<16xi32>
    %max3A_570 = arith.maxsi %min3A_567, %max3A_569 : vector<16xi32>
    %sub3A_571 = arith.constant 1 : i32
    %sub3A_572 = vector.broadcast %sub3A_571 : i32 to vector<16xi32>
    %sub3A_573 = arith.subi %max3A_570, %sub3A_572 : vector<16xi32>
    %swap3A_574 = arith.constant 3 : i32
    %swap3A_575 = arith.index_cast %swap3A_574 : i32 to index
    %swap3A_576 = arith.constant 64 : index
    %swap3A_577 = tpu.vector_load %arg6[%swap3A_575, %swap3A_576] {strides = array<i32>} : memref<200x128xi32, #tpu.memory_space<vmem>>, vector<1x16xi32>,
    %swap3A_578 = vector.shape_cast %swap3A_577 : vector<1x16xi32> to vector<16xi32>
    %swap3A_579 = vector.shape_cast %sub3A_573 : vector<16xi32> to vector<1x16xi32>
    tpu.vector_store %arg6[%swap3A_575, %swap3A_576], %swap3A_579 {strides = array<i32>} : memref<200x128xi32, #tpu.memory_space<vmem>>, vector<1x16xi32>,
    %get3A_580 = arith.constant 3 : i32
    %get3A_581 = arith.index_cast %get3A_580 : i32 to index
    %get3A_582 = arith.constant 80 : index
    %get3A_583 = tpu.vector_load %arg6[%get3A_581, %get3A_582] {strides = array<i32>} : memref<200x128xi32, #tpu.memory_space<vmem>>, vector<1x16xi32>,
    %get3A_584 = vector.shape_cast %get3A_583 : vector<1x16xi32> to vector<16xi32>
    %min3A_585 = arith.constant 366 : i32
    %min3A_586 = vector.broadcast %min3A_585 : i32 to vector<16xi32>
    %min3A_587 = arith.minsi %get3A_584, %min3A_586 : vector<16xi32>
    %max3A_588 = arith.constant 1 : i32
    %max3A_589 = vector.broadcast %max3A_588 : i32 to vector<16xi32>
    %max3A_590 = arith.maxsi %min3A_587, %max3A_589 : vector<16xi32>
    %sub3A_591 = arith.constant 1 : i32
    %sub3A_592 = vector.broadcast %sub3A_591 : i32 to vector<16xi32>
    %sub3A_593 = arith.subi %max3A_590, %sub3A_592 : vector<16xi32>
    %swap3A_594 = arith.constant 3 : i32
    %swap3A_595 = arith.index_cast %swap3A_594 : i32 to index
    %swap3A_596 = arith.constant 80 : index
    %swap3A_597 = tpu.vector_load %arg6[%swap3A_595, %swap3A_596] {strides = array<i32>} : memref<200x128xi32, #tpu.memory_space<vmem>>, vector<1x16xi32>,
    %swap3A_598 = vector.shape_cast %swap3A_597 : vector<1x16xi32> to vector<16xi32>
    %swap3A_599 = vector.shape_cast %sub3A_593 : vector<16xi32> to vector<1x16xi32>
    tpu.vector_store %arg6[%swap3A_595, %swap3A_596], %swap3A_599 {strides = array<i32>} : memref<200x128xi32, #tpu.memory_space<vmem>>, vector<1x16xi32>,
    %get3A_600 = arith.constant 3 : i32
    %get3A_601 = arith.index_cast %get3A_600 : i32 to index
    %get3A_602 = arith.constant 96 : index
    %get3A_603 = tpu.vector_load %arg6[%get3A_601, %get3A_602] {strides = array<i32>} : memref<200x128xi32, #tpu.memory_space<vmem>>, vector<1x16xi32>,
    %get3A_604 = vector.shape_cast %get3A_603 : vector<1x16xi32> to vector<16xi32>
    %min3A_605 = arith.constant 366 : i32
    %min3A_606 = vector.broadcast %min3A_605 : i32 to vector<16xi32>
    %min3A_607 = arith.minsi %get3A_604, %min3A_606 : vector<16xi32>
    %max3A_608 = arith.constant 1 : i32
    %max3A_609 = vector.broadcast %max3A_608 : i32 to vector<16xi32>
    %max3A_610 = arith.maxsi %min3A_607, %max3A_609 : vector<16xi32>
    %sub3A_611 = arith.constant 1 : i32
    %sub3A_612 = vector.broadcast %sub3A_611 : i32 to vector<16xi32>
    %sub3A_613 = arith.subi %max3A_610, %sub3A_612 : vector<16xi32>
    %swap3A_614 = arith.constant 3 : i32
    %swap3A_615 = arith.index_cast %swap3A_614 : i32 to index
    %swap3A_616 = arith.constant 96 : index
    %swap3A_617 = tpu.vector_load %arg6[%swap3A_615, %swap3A_616] {strides = array<i32>} : memref<200x128xi32, #tpu.memory_space<vmem>>, vector<1x16xi32>,
    %swap3A_618 = vector.shape_cast %swap3A_617 : vector<1x16xi32> to vector<16xi32>
    %swap3A_619 = vector.shape_cast %sub3A_613 : vector<16xi32> to vector<1x16xi32>
    tpu.vector_store %arg6[%swap3A_615, %swap3A_616], %swap3A_619 {strides = array<i32>} : memref<200x128xi32, #tpu.memory_space<vmem>>, vector<1x16xi32>,
    %get3A_620 = arith.constant 3 : i32
    %get3A_621 = arith.index_cast %get3A_620 : i32 to index
    %get3A_622 = arith.constant 112 : index
    %get3A_623 = tpu.vector_load %arg6[%get3A_621, %get3A_622] {strides = array<i32>} : memref<200x128xi32, #tpu.memory_space<vmem>>, vector<1x16xi32>,
    %get3A_624 = vector.shape_cast %get3A_623 : vector<1x16xi32> to vector<16xi32>
    %min3A_625 = arith.constant 366 : i32
    %min3A_626 = vector.broadcast %min3A_625 : i32 to vector<16xi32>
    %min3A_627 = arith.minsi %get3A_624, %min3A_626 : vector<16xi32>
    %max3A_628 = arith.constant 1 : i32
    %max3A_629 = vector.broadcast %max3A_628 : i32 to vector<16xi32>
    %max3A_630 = arith.maxsi %min3A_627, %max3A_629 : vector<16xi32>
    %sub3A_631 = arith.constant 1 : i32
    %sub3A_632 = vector.broadcast %sub3A_631 : i32 to vector<16xi32>
    %sub3A_633 = arith.subi %max3A_630, %sub3A_632 : vector<16xi32>
    %swap3A_634 = arith.constant 3 : i32
    %swap3A_635 = arith.index_cast %swap3A_634 : i32 to index
    %swap3A_636 = arith.constant 112 : index
    %swap3A_637 = tpu.vector_load %arg6[%swap3A_635, %swap3A_636] {strides = array<i32>} : memref<200x128xi32, #tpu.memory_space<vmem>>, vector<1x16xi32>,
    %swap3A_638 = vector.shape_cast %swap3A_637 : vector<1x16xi32> to vector<16xi32>
    %swap3A_639 = vector.shape_cast %sub3A_633 : vector<16xi32> to vector<1x16xi32>
    tpu.vector_store %arg6[%swap3A_635, %swap3A_636], %swap3A_639 {strides = array<i32>} : memref<200x128xi32, #tpu.memory_space<vmem>>, vector<1x16xi32>,
    %get3A_640 = arith.constant 4 : i32
    %get3A_641 = arith.index_cast %get3A_640 : i32 to index
    %get3A_642 = arith.constant 0 : index
    %get3A_643 = tpu.vector_load %arg6[%get3A_641, %get3A_642] {strides = array<i32>} : memref<200x128xi32, #tpu.memory_space<vmem>>, vector<1x16xi32>,
    %get3A_644 = vector.shape_cast %get3A_643 : vector<1x16xi32> to vector<16xi32>
    %min3A_645 = arith.constant 366 : i32
    %min3A_646 = vector.broadcast %min3A_645 : i32 to vector<16xi32>
    %min3A_647 = arith.minsi %get3A_644, %min3A_646 : vector<16xi32>
    %max3A_648 = arith.constant 1 : i32
    %max3A_649 = vector.broadcast %max3A_648 : i32 to vector<16xi32>
    %max3A_650 = arith.maxsi %min3A_647, %max3A_649 : vector<16xi32>
    %sub3A_651 = arith.constant 1 : i32
    %sub3A_652 = vector.broadcast %sub3A_651 : i32 to vector<16xi32>
    %sub3A_653 = arith.subi %max3A_650, %sub3A_652 : vector<16xi32>
    %swap3A_654 = arith.constant 4 : i32
    %swap3A_655 = arith.index_cast %swap3A_654 : i32 to index
    %swap3A_656 = arith.constant 0 : index
    %swap3A_657 = tpu.vector_load %arg6[%swap3A_655, %swap3A_656] {strides = array<i32>} : memref<200x128xi32, #tpu.memory_space<vmem>>, vector<1x16xi32>,
    %swap3A_658 = vector.shape_cast %swap3A_657 : vector<1x16xi32> to vector<16xi32>
    %swap3A_659 = vector.shape_cast %sub3A_653 : vector<16xi32> to vector<1x16xi32>
    tpu.vector_store %arg6[%swap3A_655, %swap3A_656], %swap3A_659 {strides = array<i32>} : memref<200x128xi32, #tpu.memory_space<vmem>>, vector<1x16xi32>,
    %get3A_660 = arith.constant 4 : i32
    %get3A_661 = arith.index_cast %get3A_660 : i32 to index
    %get3A_662 = arith.constant 16 : index
    %get3A_663 = tpu.vector_load %arg6[%get3A_661, %get3A_662] {strides = array<i32>} : memref<200x128xi32, #tpu.memory_space<vmem>>, vector<1x16xi32>,
    %get3A_664 = vector.shape_cast %get3A_663 : vector<1x16xi32> to vector<16xi32>
    %min3A_665 = arith.constant 366 : i32
    %min3A_666 = vector.broadcast %min3A_665 : i32 to vector<16xi32>
    %min3A_667 = arith.minsi %get3A_664, %min3A_666 : vector<16xi32>
    %max3A_668 = arith.constant 1 : i32
    %max3A_669 = vector.broadcast %max3A_668 : i32 to vector<16xi32>
    %max3A_670 = arith.maxsi %min3A_667, %max3A_669 : vector<16xi32>
    %sub3A_671 = arith.constant 1 : i32
    %sub3A_672 = vector.broadcast %sub3A_671 : i32 to vector<16xi32>
    %sub3A_673 = arith.subi %max3A_670, %sub3A_672 : vector<16xi32>
    %swap3A_674 = arith.constant 4 : i32
    %swap3A_675 = arith.index_cast %swap3A_674 : i32 to index
    %swap3A_676 = arith.constant 16 : index
    %swap3A_677 = tpu.vector_load %arg6[%swap3A_675, %swap3A_676] {strides = array<i32>} : memref<200x128xi32, #tpu.memory_space<vmem>>, vector<1x16xi32>,
    %swap3A_678 = vector.shape_cast %swap3A_677 : vector<1x16xi32> to vector<16xi32>
    %swap3A_679 = vector.shape_cast %sub3A_673 : vector<16xi32> to vector<1x16xi32>
    tpu.vector_store %arg6[%swap3A_675, %swap3A_676], %swap3A_679 {strides = array<i32>} : memref<200x128xi32, #tpu.memory_space<vmem>>, vector<1x16xi32>,
    %get3A_680 = arith.constant 4 : i32
    %get3A_681 = arith.index_cast %get3A_680 : i32 to index
    %get3A_682 = arith.constant 32 : index
    %get3A_683 = tpu.vector_load %arg6[%get3A_681, %get3A_682] {strides = array<i32>} : memref<200x128xi32, #tpu.memory_space<vmem>>, vector<1x16xi32>,
    %get3A_684 = vector.shape_cast %get3A_683 : vector<1x16xi32> to vector<16xi32>
    %min3A_685 = arith.constant 366 : i32
    %min3A_686 = vector.broadcast %min3A_685 : i32 to vector<16xi32>
    %min3A_687 = arith.minsi %get3A_684, %min3A_686 : vector<16xi32>
    %max3A_688 = arith.constant 1 : i32
    %max3A_689 = vector.broadcast %max3A_688 : i32 to vector<16xi32>
    %max3A_690 = arith.maxsi %min3A_687, %max3A_689 : vector<16xi32>
    %sub3A_691 = arith.constant 1 : i32
    %sub3A_692 = vector.broadcast %sub3A_691 : i32 to vector<16xi32>
    %sub3A_693 = arith.subi %max3A_690, %sub3A_692 : vector<16xi32>
    %swap3A_694 = arith.constant 4 : i32
    %swap3A_695 = arith.index_cast %swap3A_694 : i32 to index
    %swap3A_696 = arith.constant 32 : index
    %swap3A_697 = tpu.vector_load %arg6[%swap3A_695, %swap3A_696] {strides = array<i32>} : memref<200x128xi32, #tpu.memory_space<vmem>>, vector<1x16xi32>,
    %swap3A_698 = vector.shape_cast %swap3A_697 : vector<1x16xi32> to vector<16xi32>
    %swap3A_699 = vector.shape_cast %sub3A_693 : vector<16xi32> to vector<1x16xi32>
    tpu.vector_store %arg6[%swap3A_695, %swap3A_696], %swap3A_699 {strides = array<i32>} : memref<200x128xi32, #tpu.memory_space<vmem>>, vector<1x16xi32>,
    %get3A_700 = arith.constant 4 : i32
    %get3A_701 = arith.index_cast %get3A_700 : i32 to index
    %get3A_702 = arith.constant 48 : index
    %get3A_703 = tpu.vector_load %arg6[%get3A_701, %get3A_702] {strides = array<i32>} : memref<200x128xi32, #tpu.memory_space<vmem>>, vector<1x16xi32>,
    %get3A_704 = vector.shape_cast %get3A_703 : vector<1x16xi32> to vector<16xi32>
    %min3A_705 = arith.constant 366 : i32
    %min3A_706 = vector.broadcast %min3A_705 : i32 to vector<16xi32>
    %min3A_707 = arith.minsi %get3A_704, %min3A_706 : vector<16xi32>
    %max3A_708 = arith.constant 1 : i32
    %max3A_709 = vector.broadcast %max3A_708 : i32 to vector<16xi32>
    %max3A_710 = arith.maxsi %min3A_707, %max3A_709 : vector<16xi32>
    %sub3A_711 = arith.constant 1 : i32
    %sub3A_712 = vector.broadcast %sub3A_711 : i32 to vector<16xi32>
    %sub3A_713 = arith.subi %max3A_710, %sub3A_712 : vector<16xi32>
    %swap3A_714 = arith.constant 4 : i32
    %swap3A_715 = arith.index_cast %swap3A_714 : i32 to index
    %swap3A_716 = arith.constant 48 : index
    %swap3A_717 = tpu.vector_load %arg6[%swap3A_715, %swap3A_716] {strides = array<i32>} : memref<200x128xi32, #tpu.memory_space<vmem>>, vector<1x16xi32>,
    %swap3A_718 = vector.shape_cast %swap3A_717 : vector<1x16xi32> to vector<16xi32>
    %swap3A_719 = vector.shape_cast %sub3A_713 : vector<16xi32> to vector<1x16xi32>
    tpu.vector_store %arg6[%swap3A_715, %swap3A_716], %swap3A_719 {strides = array<i32>} : memref<200x128xi32, #tpu.memory_space<vmem>>, vector<1x16xi32>,
    %get3A_720 = arith.constant 4 : i32
    %get3A_721 = arith.index_cast %get3A_720 : i32 to index
    %get3A_722 = arith.constant 64 : index
    %get3A_723 = tpu.vector_load %arg6[%get3A_721, %get3A_722] {strides = array<i32>} : memref<200x128xi32, #tpu.memory_space<vmem>>, vector<1x16xi32>,
    %get3A_724 = vector.shape_cast %get3A_723 : vector<1x16xi32> to vector<16xi32>
    %min3A_725 = arith.constant 366 : i32
    %min3A_726 = vector.broadcast %min3A_725 : i32 to vector<16xi32>
    %min3A_727 = arith.minsi %get3A_724, %min3A_726 : vector<16xi32>
    %max3A_728 = arith.constant 1 : i32
    %max3A_729 = vector.broadcast %max3A_728 : i32 to vector<16xi32>
    %max3A_730 = arith.maxsi %min3A_727, %max3A_729 : vector<16xi32>
    %sub3A_731 = arith.constant 1 : i32
    %sub3A_732 = vector.broadcast %sub3A_731 : i32 to vector<16xi32>
    %sub3A_733 = arith.subi %max3A_730, %sub3A_732 : vector<16xi32>
    %swap3A_734 = arith.constant 4 : i32
    %swap3A_735 = arith.index_cast %swap3A_734 : i32 to index
    %swap3A_736 = arith.constant 64 : index
    %swap3A_737 = tpu.vector_load %arg6[%swap3A_735, %swap3A_736] {strides = array<i32>} : memref<200x128xi32, #tpu.memory_space<vmem>>, vector<1x16xi32>,
    %swap3A_738 = vector.shape_cast %swap3A_737 : vector<1x16xi32> to vector<16xi32>
    %swap3A_739 = vector.shape_cast %sub3A_733 : vector<16xi32> to vector<1x16xi32>
    tpu.vector_store %arg6[%swap3A_735, %swap3A_736], %swap3A_739 {strides = array<i32>} : memref<200x128xi32, #tpu.memory_space<vmem>>, vector<1x16xi32>,
    %get3A_740 = arith.constant 4 : i32
    %get3A_741 = arith.index_cast %get3A_740 : i32 to index
    %get3A_742 = arith.constant 80 : index
    %get3A_743 = tpu.vector_load %arg6[%get3A_741, %get3A_742] {strides = array<i32>} : memref<200x128xi32, #tpu.memory_space<vmem>>, vector<1x16xi32>,
    %get3A_744 = vector.shape_cast %get3A_743 : vector<1x16xi32> to vector<16xi32>
    %min3A_745 = arith.constant 366 : i32
    %min3A_746 = vector.broadcast %min3A_745 : i32 to vector<16xi32>
    %min3A_747 = arith.minsi %get3A_744, %min3A_746 : vector<16xi32>
    %max3A_748 = arith.constant 1 : i32
    %max3A_749 = vector.broadcast %max3A_748 : i32 to vector<16xi32>
    %max3A_750 = arith.maxsi %min3A_747, %max3A_749 : vector<16xi32>
    %sub3A_751 = arith.constant 1 : i32
    %sub3A_752 = vector.broadcast %sub3A_751 : i32 to vector<16xi32>
    %sub3A_753 = arith.subi %max3A_750, %sub3A_752 : vector<16xi32>
    %swap3A_754 = arith.constant 4 : i32
    %swap3A_755 = arith.index_cast %swap3A_754 : i32 to index
    %swap3A_756 = arith.constant 80 : index
    %swap3A_757 = tpu.vector_load %arg6[%swap3A_755, %swap3A_756] {strides = array<i32>} : memref<200x128xi32, #tpu.memory_space<vmem>>, vector<1x16xi32>,
    %swap3A_758 = vector.shape_cast %swap3A_757 : vector<1x16xi32> to vector<16xi32>
    %swap3A_759 = vector.shape_cast %sub3A_753 : vector<16xi32> to vector<1x16xi32>
    tpu.vector_store %arg6[%swap3A_755, %swap3A_756], %swap3A_759 {strides = array<i32>} : memref<200x128xi32, #tpu.memory_space<vmem>>, vector<1x16xi32>,
    %get3A_760 = arith.constant 4 : i32
    %get3A_761 = arith.index_cast %get3A_760 : i32 to index
    %get3A_762 = arith.constant 96 : index
    %get3A_763 = tpu.vector_load %arg6[%get3A_761, %get3A_762] {strides = array<i32>} : memref<200x128xi32, #tpu.memory_space<vmem>>, vector<1x16xi32>,
    %get3A_764 = vector.shape_cast %get3A_763 : vector<1x16xi32> to vector<16xi32>
    %min3A_765 = arith.constant 366 : i32
    %min3A_766 = vector.broadcast %min3A_765 : i32 to vector<16xi32>
    %min3A_767 = arith.minsi %get3A_764, %min3A_766 : vector<16xi32>
    %max3A_768 = arith.constant 1 : i32
    %max3A_769 = vector.broadcast %max3A_768 : i32 to vector<16xi32>
    %max3A_770 = arith.maxsi %min3A_767, %max3A_769 : vector<16xi32>
    %sub3A_771 = arith.constant 1 : i32
    %sub3A_772 = vector.broadcast %sub3A_771 : i32 to vector<16xi32>
    %sub3A_773 = arith.subi %max3A_770, %sub3A_772 : vector<16xi32>
    %swap3A_774 = arith.constant 4 : i32
    %swap3A_775 = arith.index_cast %swap3A_774 : i32 to index
    %swap3A_776 = arith.constant 96 : index
    %swap3A_777 = tpu.vector_load %arg6[%swap3A_775, %swap3A_776] {strides = array<i32>} : memref<200x128xi32, #tpu.memory_space<vmem>>, vector<1x16xi32>,
    %swap3A_778 = vector.shape_cast %swap3A_777 : vector<1x16xi32> to vector<16xi32>
    %swap3A_779 = vector.shape_cast %sub3A_773 : vector<16xi32> to vector<1x16xi32>
    tpu.vector_store %arg6[%swap3A_775, %swap3A_776], %swap3A_779 {strides = array<i32>} : memref<200x128xi32, #tpu.memory_space<vmem>>, vector<1x16xi32>,
    %get3A_780 = arith.constant 4 : i32
    %get3A_781 = arith.index_cast %get3A_780 : i32 to index
    %get3A_782 = arith.constant 112 : index
    %get3A_783 = tpu.vector_load %arg6[%get3A_781, %get3A_782] {strides = array<i32>} : memref<200x128xi32, #tpu.memory_space<vmem>>, vector<1x16xi32>,
    %get3A_784 = vector.shape_cast %get3A_783 : vector<1x16xi32> to vector<16xi32>
    %min3A_785 = arith.constant 366 : i32
    %min3A_786 = vector.broadcast %min3A_785 : i32 to vector<16xi32>
    %min3A_787 = arith.minsi %get3A_784, %min3A_786 : vector<16xi32>
    %max3A_788 = arith.constant 1 : i32
    %max3A_789 = vector.broadcast %max3A_788 : i32 to vector<16xi32>
    %max3A_790 = arith.maxsi %min3A_787, %max3A_789 : vector<16xi32>
    %sub3A_791 = arith.constant 1 : i32
    %sub3A_792 = vector.broadcast %sub3A_791 : i32 to vector<16xi32>
    %sub3A_793 = arith.subi %max3A_790, %sub3A_792 : vector<16xi32>
    %swap3A_794 = arith.constant 4 : i32
    %swap3A_795 = arith.index_cast %swap3A_794 : i32 to index
    %swap3A_796 = arith.constant 112 : index
    %swap3A_797 = tpu.vector_load %arg6[%swap3A_795, %swap3A_796] {strides = array<i32>} : memref<200x128xi32, #tpu.memory_space<vmem>>, vector<1x16xi32>,
    %swap3A_798 = vector.shape_cast %swap3A_797 : vector<1x16xi32> to vector<16xi32>
    %swap3A_799 = vector.shape_cast %sub3A_793 : vector<16xi32> to vector<1x16xi32>
    tpu.vector_store %arg6[%swap3A_795, %swap3A_796], %swap3A_799 {strides = array<i32>} : memref<200x128xi32, #tpu.memory_space<vmem>>, vector<1x16xi32>,
    %barrier3A = arith.constant 0 : index
    tpu.barrier barrier_id(%barrier3A)
    %dma_start3A = arith.constant 0 : i32
    %dma_start3A_800 = arith.constant 0 : i32
    %dma_start3A_801 = arith.constant 0 : i32
    %dma_start3A_802 = tpu.memref_slice %arg7[%dma_start3A_800, %dma_start3A_801] : memref<128x128xf32, #tpu.memory_space<vmem>> -> memref<128x128xf32, #tpu.memory_space<vmem>>
    %dma_start3A_803 = arith.constant 0 : i32
    %dma_start3A_804 = tpu.memref_slice %arg6[%dma_start3A, %dma_start3A_803] : memref<200x128xi32, #tpu.memory_space<vmem>> -> memref<1x128xi32, #tpu.memory_space<vmem>>
    %dma_start3A_805 = tpu.memref_squeeze %dma_start3A_804 : memref<1x128xi32, #tpu.memory_space<vmem>> -> memref<128xi32, #tpu.memory_space<vmem>>
    %dma_start3A_806 = arith.constant 0 : i32
    %dma_start3A_807 = arith.constant 0 : i32
    %dma_start3A_808 = tpu.memref_slice %arg5[%dma_start3A_806, %dma_start3A_807] : memref<366x128xf32, #tpu.memory_space<vmem_shared>> -> memref<366x128xf32, #tpu.memory_space<vmem_shared>>
    tpu.enqueue_indirect_dma source(%dma_start3A_808 : memref<366x128xf32, #tpu.memory_space<vmem_shared>>) target(%dma_start3A_802 : memref<128x128xf32, #tpu.memory_space<vmem>>) offsets(%dma_start3A_805 : memref<128xi32, #tpu.memory_space<vmem>>) semaphore(%arg12 : memref<!tpu.dma_semaphore, #tpu.memory_space<semaphore_mem>>)
    %dma_start3A_809 = arith.constant 1 : i32
    %dma_start3A_810 = arith.constant 0 : i32
    %dma_start3A_811 = arith.constant 0 : i32
    %dma_start3A_812 = tpu.memref_slice %arg8[%dma_start3A_810, %dma_start3A_811] : memref<128x128xf32, #tpu.memory_space<vmem>> -> memref<128x128xf32, #tpu.memory_space<vmem>>
    %dma_start3A_813 = arith.constant 0 : i32
    %dma_start3A_814 = tpu.memref_slice %arg6[%dma_start3A_809, %dma_start3A_813] : memref<200x128xi32, #tpu.memory_space<vmem>> -> memref<1x128xi32, #tpu.memory_space<vmem>>
    %dma_start3A_815 = tpu.memref_squeeze %dma_start3A_814 : memref<1x128xi32, #tpu.memory_space<vmem>> -> memref<128xi32, #tpu.memory_space<vmem>>
    %dma_start3A_816 = arith.constant 0 : i32
    %dma_start3A_817 = arith.constant 0 : i32
    %dma_start3A_818 = tpu.memref_slice %arg5[%dma_start3A_816, %dma_start3A_817] : memref<366x128xf32, #tpu.memory_space<vmem_shared>> -> memref<366x128xf32, #tpu.memory_space<vmem_shared>>
    tpu.enqueue_indirect_dma source(%dma_start3A_818 : memref<366x128xf32, #tpu.memory_space<vmem_shared>>) target(%dma_start3A_812 : memref<128x128xf32, #tpu.memory_space<vmem>>) offsets(%dma_start3A_815 : memref<128xi32, #tpu.memory_space<vmem>>) semaphore(%arg12 : memref<!tpu.dma_semaphore, #tpu.memory_space<semaphore_mem>>)
    %dma_start3A_819 = arith.constant 2 : i32
    %dma_start3A_820 = arith.constant 0 : i32
    %dma_start3A_821 = arith.constant 0 : i32
    %dma_start3A_822 = tpu.memref_slice %arg9[%dma_start3A_820, %dma_start3A_821] : memref<128x128xf32, #tpu.memory_space<vmem>> -> memref<128x128xf32, #tpu.memory_space<vmem>>
    %dma_start3A_823 = arith.constant 0 : i32
    %dma_start3A_824 = tpu.memref_slice %arg6[%dma_start3A_819, %dma_start3A_823] : memref<200x128xi32, #tpu.memory_space<vmem>> -> memref<1x128xi32, #tpu.memory_space<vmem>>
    %dma_start3A_825 = tpu.memref_squeeze %dma_start3A_824 : memref<1x128xi32, #tpu.memory_space<vmem>> -> memref<128xi32, #tpu.memory_space<vmem>>
    %dma_start3A_826 = arith.constant 0 : i32
    %dma_start3A_827 = arith.constant 0 : i32
    %dma_start3A_828 = tpu.memref_slice %arg5[%dma_start3A_826, %dma_start3A_827] : memref<366x128xf32, #tpu.memory_space<vmem_shared>> -> memref<366x128xf32, #tpu.memory_space<vmem_shared>>
    tpu.enqueue_indirect_dma source(%dma_start3A_828 : memref<366x128xf32, #tpu.memory_space<vmem_shared>>) target(%dma_start3A_822 : memref<128x128xf32, #tpu.memory_space<vmem>>) offsets(%dma_start3A_825 : memref<128xi32, #tpu.memory_space<vmem>>) semaphore(%arg12 : memref<!tpu.dma_semaphore, #tpu.memory_space<semaphore_mem>>)
    %dma_start3A_829 = arith.constant 3 : i32
    %dma_start3A_830 = arith.constant 0 : i32
    %dma_start3A_831 = arith.constant 0 : i32
    %dma_start3A_832 = tpu.memref_slice %arg10[%dma_start3A_830, %dma_start3A_831] : memref<128x128xf32, #tpu.memory_space<vmem>> -> memref<128x128xf32, #tpu.memory_space<vmem>>
    %dma_start3A_833 = arith.constant 0 : i32
    %dma_start3A_834 = tpu.memref_slice %arg6[%dma_start3A_829, %dma_start3A_833] : memref<200x128xi32, #tpu.memory_space<vmem>> -> memref<1x128xi32, #tpu.memory_space<vmem>>
    %dma_start3A_835 = tpu.memref_squeeze %dma_start3A_834 : memref<1x128xi32, #tpu.memory_space<vmem>> -> memref<128xi32, #tpu.memory_space<vmem>>
    %dma_start3A_836 = arith.constant 0 : i32
    %dma_start3A_837 = arith.constant 0 : i32
    %dma_start3A_838 = tpu.memref_slice %arg5[%dma_start3A_836, %dma_start3A_837] : memref<366x128xf32, #tpu.memory_space<vmem_shared>> -> memref<366x128xf32, #tpu.memory_space<vmem_shared>>
    tpu.enqueue_indirect_dma source(%dma_start3A_838 : memref<366x128xf32, #tpu.memory_space<vmem_shared>>) target(%dma_start3A_832 : memref<128x128xf32, #tpu.memory_space<vmem>>) offsets(%dma_start3A_835 : memref<128xi32, #tpu.memory_space<vmem>>) semaphore(%arg12 : memref<!tpu.dma_semaphore, #tpu.memory_space<semaphore_mem>>)
    %dma_start3A_839 = arith.constant 4 : i32
    %dma_start3A_840 = arith.constant 0 : i32
    %dma_start3A_841 = arith.constant 0 : i32
    %dma_start3A_842 = tpu.memref_slice %arg11[%dma_start3A_840, %dma_start3A_841] : memref<128x128xf32, #tpu.memory_space<vmem>> -> memref<128x128xf32, #tpu.memory_space<vmem>>
    %dma_start3A_843 = arith.constant 0 : i32
    %dma_start3A_844 = tpu.memref_slice %arg6[%dma_start3A_839, %dma_start3A_843] : memref<200x128xi32, #tpu.memory_space<vmem>> -> memref<1x128xi32, #tpu.memory_space<vmem>>
    %dma_start3A_845 = tpu.memref_squeeze %dma_start3A_844 : memref<1x128xi32, #tpu.memory_space<vmem>> -> memref<128xi32, #tpu.memory_space<vmem>>
    %dma_start3A_846 = arith.constant 0 : i32
    %dma_start3A_847 = arith.constant 0 : i32
    %dma_start3A_848 = tpu.memref_slice %arg5[%dma_start3A_846, %dma_start3A_847] : memref<366x128xf32, #tpu.memory_space<vmem_shared>> -> memref<366x128xf32, #tpu.memory_space<vmem_shared>>
    tpu.enqueue_indirect_dma source(%dma_start3A_848 : memref<366x128xf32, #tpu.memory_space<vmem_shared>>) target(%dma_start3A_842 : memref<128x128xf32, #tpu.memory_space<vmem>>) offsets(%dma_start3A_845 : memref<128xi32, #tpu.memory_space<vmem>>) semaphore(%arg12 : memref<!tpu.dma_semaphore, #tpu.memory_space<semaphore_mem>>)
    %scan3A = arith.constant 0 : i32
    %scan3A_849 = arith.constant 0 : i32
    %scan3A_850 = arith.constant 40 : i32
    %scan3A_851 = arith.addi %scan3A_849, %scan3A_850 : i32
    %scan3A_852 = arith.constant 1 : i32
    %scan3A_853 = scf.for %scan3A_855 = %scan3A_849 to %scan3A_851 step %scan3A_852 iter_args(%scan3A_856 = %scan3A) -> (i32)  : i32 {
      %mul3A_857 = arith.constant 5 : i32
      %mul3A_858 = arith.muli %scan3A_855, %mul3A_857 : i32
      %add3A_859 = arith.constant 0 : i32
      %add3A_860 = arith.addi %mul3A_858, %add3A_859 : i32
      %add3A_861 = arith.constant 5 : i32
      %add3A_862 = arith.addi %add3A_860, %add3A_861 : i32
      %mul3A_863 = arith.constant 1 : i32
      %mul3A_864 = arith.muli %add3A_860, %mul3A_863 : i32
      %add3A_865 = arith.constant 0 : i32
      %add3A_866 = arith.addi %mul3A_864, %add3A_865 : i32
      %dma_wait3A = arith.constant 0 : i32
      %dma_wait3A_867 = arith.constant 0 : i32
      %dma_wait3A_868 = tpu.memref_slice %arg7[%dma_wait3A, %dma_wait3A_867] : memref<128x128xf32, #tpu.memory_space<vmem>> -> memref<128x128xf32, #tpu.memory_space<vmem>>
      %dma_wait3A_869 = arith.constant 0 : i32
      %dma_wait3A_870 = tpu.memref_slice %arg6[%add3A_866, %dma_wait3A_869] : memref<200x128xi32, #tpu.memory_space<vmem>> -> memref<1x128xi32, #tpu.memory_space<vmem>>
      %dma_wait3A_871 = tpu.memref_squeeze %dma_wait3A_870 : memref<1x128xi32, #tpu.memory_space<vmem>> -> memref<128xi32, #tpu.memory_space<vmem>>
      %dma_wait3A_872 = arith.constant 0 : i32
      %dma_wait3A_873 = arith.constant 0 : i32
      %dma_wait3A_874 = tpu.memref_slice %arg5[%dma_wait3A_872, %dma_wait3A_873] : memref<366x128xf32, #tpu.memory_space<vmem_shared>> -> memref<366x128xf32, #tpu.memory_space<vmem_shared>>
      tpu.wait_indirect_dma semaphore(%arg12 : memref<!tpu.dma_semaphore, #tpu.memory_space<semaphore_mem>>) src(%dma_wait3A_874 : memref<366x128xf32, #tpu.memory_space<vmem_shared>>) dst(%dma_wait3A_868 : memref<128x128xf32, #tpu.memory_space<vmem>>)
      %mul3A_875 = arith.constant 1 : i32
      %mul3A_876 = arith.muli %add3A_860, %mul3A_875 : i32
      %add3A_877 = arith.addi %mul3A_2, %mul3A_876 : i32
      %mul3A_878 = arith.constant 128 : i32
      %mul3A_879 = arith.muli %add3A_877, %mul3A_878 : i32
      %dma_start3A_880 = arith.constant 0 : i32
      %dma_start3A_881 = tpu.memref_slice %arg4[%mul3A_879, %dma_start3A_880] : memref<819200x128xf32, #tpu.memory_space<hbm>> -> memref<128x128xf32, #tpu.memory_space<hbm>>
      %dma_start3A_882 = arith.constant 0 : i32
      %dma_start3A_883 = tpu.memref_slice %arg4[%mul3A_879, %dma_start3A_882] : memref<819200x128xf32, #tpu.memory_space<hbm>> -> memref<128x128xf32, #tpu.memory_space<hbm>>
      tpu.enqueue_dma source(%arg7 : memref<128x128xf32, #tpu.memory_space<vmem>>) target(%dma_start3A_883 : memref<128x128xf32, #tpu.memory_space<hbm>>) target_semaphore(%arg13 : memref<!tpu.dma_semaphore, #tpu.memory_space<semaphore_mem>>)
      %lt3A = arith.constant 200 : i32
      %lt3A_884 = arith.cmpi slt, %add3A_862, %lt3A : i32
      %convert_element_type3A_885 = arith.extui %lt3A_884 : i1 to i32
      %cond3A_886 = arith.constant 0 : i32
      %cond3A_887 = arith.cmpi ne, %convert_element_type3A_885, %cond3A_886 : i32
      scf.if %cond3A_887 {
        %mul3A_1045 = arith.constant 1 : i32
        %mul3A_1046 = arith.muli %add3A_862, %mul3A_1045 : i32
        %add3A_1047 = arith.constant 0 : i32
        %add3A_1048 = arith.addi %mul3A_1046, %add3A_1047 : i32
        %get3A_1049 = arith.index_cast %add3A_1048 : i32 to index
        %get3A_1050 = arith.constant 0 : index
        %get3A_1051 = tpu.vector_load %arg6[%get3A_1049, %get3A_1050] {strides = array<i32>} : memref<200x128xi32, #tpu.memory_space<vmem>>, vector<1x16xi32>,
        %get3A_1052 = vector.shape_cast %get3A_1051 : vector<1x16xi32> to vector<16xi32>
        %min3A_1053 = arith.constant 366 : i32
        %min3A_1054 = vector.broadcast %min3A_1053 : i32 to vector<16xi32>
        %min3A_1055 = arith.minsi %get3A_1052, %min3A_1054 : vector<16xi32>
        %max3A_1056 = arith.constant 1 : i32
        %max3A_1057 = vector.broadcast %max3A_1056 : i32 to vector<16xi32>
        %max3A_1058 = arith.maxsi %min3A_1055, %max3A_1057 : vector<16xi32>
        %sub3A_1059 = arith.constant 1 : i32
        %sub3A_1060 = vector.broadcast %sub3A_1059 : i32 to vector<16xi32>
        %sub3A_1061 = arith.subi %max3A_1058, %sub3A_1060 : vector<16xi32>
        %swap3A_1062 = arith.index_cast %add3A_1048 : i32 to index
        %swap3A_1063 = arith.constant 0 : index
        %swap3A_1064 = tpu.vector_load %arg6[%swap3A_1062, %swap3A_1063] {strides = array<i32>} : memref<200x128xi32, #tpu.memory_space<vmem>>, vector<1x16xi32>,
        %swap3A_1065 = vector.shape_cast %swap3A_1064 : vector<1x16xi32> to vector<16xi32>
        %swap3A_1066 = vector.shape_cast %sub3A_1061 : vector<16xi32> to vector<1x16xi32>
        tpu.vector_store %arg6[%swap3A_1062, %swap3A_1063], %swap3A_1066 {strides = array<i32>} : memref<200x128xi32, #tpu.memory_space<vmem>>, vector<1x16xi32>,
        %get3A_1067 = arith.index_cast %add3A_1048 : i32 to index
        %get3A_1068 = arith.constant 16 : index
        %get3A_1069 = tpu.vector_load %arg6[%get3A_1067, %get3A_1068] {strides = array<i32>} : memref<200x128xi32, #tpu.memory_space<vmem>>, vector<1x16xi32>,
        %get3A_1070 = vector.shape_cast %get3A_1069 : vector<1x16xi32> to vector<16xi32>
        %min3A_1071 = arith.constant 366 : i32
        %min3A_1072 = vector.broadcast %min3A_1071 : i32 to vector<16xi32>
        %min3A_1073 = arith.minsi %get3A_1070, %min3A_1072 : vector<16xi32>
        %max3A_1074 = arith.constant 1 : i32
        %max3A_1075 = vector.broadcast %max3A_1074 : i32 to vector<16xi32>
        %max3A_1076 = arith.maxsi %min3A_1073, %max3A_1075 : vector<16xi32>
        %sub3A_1077 = arith.constant 1 : i32
        %sub3A_1078 = vector.broadcast %sub3A_1077 : i32 to vector<16xi32>
        %sub3A_1079 = arith.subi %max3A_1076, %sub3A_1078 : vector<16xi32>
        %swap3A_1080 = arith.index_cast %add3A_1048 : i32 to index
        %swap3A_1081 = arith.constant 16 : index
        %swap3A_1082 = tpu.vector_load %arg6[%swap3A_1080, %swap3A_1081] {strides = array<i32>} : memref<200x128xi32, #tpu.memory_space<vmem>>, vector<1x16xi32>,
        %swap3A_1083 = vector.shape_cast %swap3A_1082 : vector<1x16xi32> to vector<16xi32>
        %swap3A_1084 = vector.shape_cast %sub3A_1079 : vector<16xi32> to vector<1x16xi32>
        tpu.vector_store %arg6[%swap3A_1080, %swap3A_1081], %swap3A_1084 {strides = array<i32>} : memref<200x128xi32, #tpu.memory_space<vmem>>, vector<1x16xi32>,
        %get3A_1085 = arith.index_cast %add3A_1048 : i32 to index
        %get3A_1086 = arith.constant 32 : index
        %get3A_1087 = tpu.vector_load %arg6[%get3A_1085, %get3A_1086] {strides = array<i32>} : memref<200x128xi32, #tpu.memory_space<vmem>>, vector<1x16xi32>,
        %get3A_1088 = vector.shape_cast %get3A_1087 : vector<1x16xi32> to vector<16xi32>
        %min3A_1089 = arith.constant 366 : i32
        %min3A_1090 = vector.broadcast %min3A_1089 : i32 to vector<16xi32>
        %min3A_1091 = arith.minsi %get3A_1088, %min3A_1090 : vector<16xi32>
        %max3A_1092 = arith.constant 1 : i32
        %max3A_1093 = vector.broadcast %max3A_1092 : i32 to vector<16xi32>
        %max3A_1094 = arith.maxsi %min3A_1091, %max3A_1093 : vector<16xi32>
        %sub3A_1095 = arith.constant 1 : i32
        %sub3A_1096 = vector.broadcast %sub3A_1095 : i32 to vector<16xi32>
        %sub3A_1097 = arith.subi %max3A_1094, %sub3A_1096 : vector<16xi32>
        %swap3A_1098 = arith.index_cast %add3A_1048 : i32 to index
        %swap3A_1099 = arith.constant 32 : index
        %swap3A_1100 = tpu.vector_load %arg6[%swap3A_1098, %swap3A_1099] {strides = array<i32>} : memref<200x128xi32, #tpu.memory_space<vmem>>, vector<1x16xi32>,
        %swap3A_1101 = vector.shape_cast %swap3A_1100 : vector<1x16xi32> to vector<16xi32>
        %swap3A_1102 = vector.shape_cast %sub3A_1097 : vector<16xi32> to vector<1x16xi32>
        tpu.vector_store %arg6[%swap3A_1098, %swap3A_1099], %swap3A_1102 {strides = array<i32>} : memref<200x128xi32, #tpu.memory_space<vmem>>, vector<1x16xi32>,
        %get3A_1103 = arith.index_cast %add3A_1048 : i32 to index
        %get3A_1104 = arith.constant 48 : index
        %get3A_1105 = tpu.vector_load %arg6[%get3A_1103, %get3A_1104] {strides = array<i32>} : memref<200x128xi32, #tpu.memory_space<vmem>>, vector<1x16xi32>,
        %get3A_1106 = vector.shape_cast %get3A_1105 : vector<1x16xi32> to vector<16xi32>
        %min3A_1107 = arith.constant 366 : i32
        %min3A_1108 = vector.broadcast %min3A_1107 : i32 to vector<16xi32>
        %min3A_1109 = arith.minsi %get3A_1106, %min3A_1108 : vector<16xi32>
        %max3A_1110 = arith.constant 1 : i32
        %max3A_1111 = vector.broadcast %max3A_1110 : i32 to vector<16xi32>
        %max3A_1112 = arith.maxsi %min3A_1109, %max3A_1111 : vector<16xi32>
        %sub3A_1113 = arith.constant 1 : i32
        %sub3A_1114 = vector.broadcast %sub3A_1113 : i32 to vector<16xi32>
        %sub3A_1115 = arith.subi %max3A_1112, %sub3A_1114 : vector<16xi32>
        %swap3A_1116 = arith.index_cast %add3A_1048 : i32 to index
        %swap3A_1117 = arith.constant 48 : index
        %swap3A_1118 = tpu.vector_load %arg6[%swap3A_1116, %swap3A_1117] {strides = array<i32>} : memref<200x128xi32, #tpu.memory_space<vmem>>, vector<1x16xi32>,
        %swap3A_1119 = vector.shape_cast %swap3A_1118 : vector<1x16xi32> to vector<16xi32>
        %swap3A_1120 = vector.shape_cast %sub3A_1115 : vector<16xi32> to vector<1x16xi32>
        tpu.vector_store %arg6[%swap3A_1116, %swap3A_1117], %swap3A_1120 {strides = array<i32>} : memref<200x128xi32, #tpu.memory_space<vmem>>, vector<1x16xi32>,
        %get3A_1121 = arith.index_cast %add3A_1048 : i32 to index
        %get3A_1122 = arith.constant 64 : index
        %get3A_1123 = tpu.vector_load %arg6[%get3A_1121, %get3A_1122] {strides = array<i32>} : memref<200x128xi32, #tpu.memory_space<vmem>>, vector<1x16xi32>,
        %get3A_1124 = vector.shape_cast %get3A_1123 : vector<1x16xi32> to vector<16xi32>
        %min3A_1125 = arith.constant 366 : i32
        %min3A_1126 = vector.broadcast %min3A_1125 : i32 to vector<16xi32>
        %min3A_1127 = arith.minsi %get3A_1124, %min3A_1126 : vector<16xi32>
        %max3A_1128 = arith.constant 1 : i32
        %max3A_1129 = vector.broadcast %max3A_1128 : i32 to vector<16xi32>
        %max3A_1130 = arith.maxsi %min3A_1127, %max3A_1129 : vector<16xi32>
        %sub3A_1131 = arith.constant 1 : i32
        %sub3A_1132 = vector.broadcast %sub3A_1131 : i32 to vector<16xi32>
        %sub3A_1133 = arith.subi %max3A_1130, %sub3A_1132 : vector<16xi32>
        %swap3A_1134 = arith.index_cast %add3A_1048 : i32 to index
        %swap3A_1135 = arith.constant 64 : index
        %swap3A_1136 = tpu.vector_load %arg6[%swap3A_1134, %swap3A_1135] {strides = array<i32>} : memref<200x128xi32, #tpu.memory_space<vmem>>, vector<1x16xi32>,
        %swap3A_1137 = vector.shape_cast %swap3A_1136 : vector<1x16xi32> to vector<16xi32>
        %swap3A_1138 = vector.shape_cast %sub3A_1133 : vector<16xi32> to vector<1x16xi32>
        tpu.vector_store %arg6[%swap3A_1134, %swap3A_1135], %swap3A_1138 {strides = array<i32>} : memref<200x128xi32, #tpu.memory_space<vmem>>, vector<1x16xi32>,
        %get3A_1139 = arith.index_cast %add3A_1048 : i32 to index
        %get3A_1140 = arith.constant 80 : index
        %get3A_1141 = tpu.vector_load %arg6[%get3A_1139, %get3A_1140] {strides = array<i32>} : memref<200x128xi32, #tpu.memory_space<vmem>>, vector<1x16xi32>,
        %get3A_1142 = vector.shape_cast %get3A_1141 : vector<1x16xi32> to vector<16xi32>
        %min3A_1143 = arith.constant 366 : i32
        %min3A_1144 = vector.broadcast %min3A_1143 : i32 to vector<16xi32>
        %min3A_1145 = arith.minsi %get3A_1142, %min3A_1144 : vector<16xi32>
        %max3A_1146 = arith.constant 1 : i32
        %max3A_1147 = vector.broadcast %max3A_1146 : i32 to vector<16xi32>
        %max3A_1148 = arith.maxsi %min3A_1145, %max3A_1147 : vector<16xi32>
        %sub3A_1149 = arith.constant 1 : i32
        %sub3A_1150 = vector.broadcast %sub3A_1149 : i32 to vector<16xi32>
        %sub3A_1151 = arith.subi %max3A_1148, %sub3A_1150 : vector<16xi32>
        %swap3A_1152 = arith.index_cast %add3A_1048 : i32 to index
        %swap3A_1153 = arith.constant 80 : index
        %swap3A_1154 = tpu.vector_load %arg6[%swap3A_1152, %swap3A_1153] {strides = array<i32>} : memref<200x128xi32, #tpu.memory_space<vmem>>, vector<1x16xi32>,
        %swap3A_1155 = vector.shape_cast %swap3A_1154 : vector<1x16xi32> to vector<16xi32>
        %swap3A_1156 = vector.shape_cast %sub3A_1151 : vector<16xi32> to vector<1x16xi32>
        tpu.vector_store %arg6[%swap3A_1152, %swap3A_1153], %swap3A_1156 {strides = array<i32>} : memref<200x128xi32, #tpu.memory_space<vmem>>, vector<1x16xi32>,
        %get3A_1157 = arith.index_cast %add3A_1048 : i32 to index
        %get3A_1158 = arith.constant 96 : index
        %get3A_1159 = tpu.vector_load %arg6[%get3A_1157, %get3A_1158] {strides = array<i32>} : memref<200x128xi32, #tpu.memory_space<vmem>>, vector<1x16xi32>,
        %get3A_1160 = vector.shape_cast %get3A_1159 : vector<1x16xi32> to vector<16xi32>
        %min3A_1161 = arith.constant 366 : i32
        %min3A_1162 = vector.broadcast %min3A_1161 : i32 to vector<16xi32>
        %min3A_1163 = arith.minsi %get3A_1160, %min3A_1162 : vector<16xi32>
        %max3A_1164 = arith.constant 1 : i32
        %max3A_1165 = vector.broadcast %max3A_1164 : i32 to vector<16xi32>
        %max3A_1166 = arith.maxsi %min3A_1163, %max3A_1165 : vector<16xi32>
        %sub3A_1167 = arith.constant 1 : i32
        %sub3A_1168 = vector.broadcast %sub3A_1167 : i32 to vector<16xi32>
        %sub3A_1169 = arith.subi %max3A_1166, %sub3A_1168 : vector<16xi32>
        %swap3A_1170 = arith.index_cast %add3A_1048 : i32 to index
        %swap3A_1171 = arith.constant 96 : index
        %swap3A_1172 = tpu.vector_load %arg6[%swap3A_1170, %swap3A_1171] {strides = array<i32>} : memref<200x128xi32, #tpu.memory_space<vmem>>, vector<1x16xi32>,
        %swap3A_1173 = vector.shape_cast %swap3A_1172 : vector<1x16xi32> to vector<16xi32>
        %swap3A_1174 = vector.shape_cast %sub3A_1169 : vector<16xi32> to vector<1x16xi32>
        tpu.vector_store %arg6[%swap3A_1170, %swap3A_1171], %swap3A_1174 {strides = array<i32>} : memref<200x128xi32, #tpu.memory_space<vmem>>, vector<1x16xi32>,
        %get3A_1175 = arith.index_cast %add3A_1048 : i32 to index
        %get3A_1176 = arith.constant 112 : index
        %get3A_1177 = tpu.vector_load %arg6[%get3A_1175, %get3A_1176] {strides = array<i32>} : memref<200x128xi32, #tpu.memory_space<vmem>>, vector<1x16xi32>,
        %get3A_1178 = vector.shape_cast %get3A_1177 : vector<1x16xi32> to vector<16xi32>
        %min3A_1179 = arith.constant 366 : i32
        %min3A_1180 = vector.broadcast %min3A_1179 : i32 to vector<16xi32>
        %min3A_1181 = arith.minsi %get3A_1178, %min3A_1180 : vector<16xi32>
        %max3A_1182 = arith.constant 1 : i32
        %max3A_1183 = vector.broadcast %max3A_1182 : i32 to vector<16xi32>
        %max3A_1184 = arith.maxsi %min3A_1181, %max3A_1183 : vector<16xi32>
        %sub3A_1185 = arith.constant 1 : i32
        %sub3A_1186 = vector.broadcast %sub3A_1185 : i32 to vector<16xi32>
        %sub3A_1187 = arith.subi %max3A_1184, %sub3A_1186 : vector<16xi32>
        %swap3A_1188 = arith.index_cast %add3A_1048 : i32 to index
        %swap3A_1189 = arith.constant 112 : index
        %swap3A_1190 = tpu.vector_load %arg6[%swap3A_1188, %swap3A_1189] {strides = array<i32>} : memref<200x128xi32, #tpu.memory_space<vmem>>, vector<1x16xi32>,
        %swap3A_1191 = vector.shape_cast %swap3A_1190 : vector<1x16xi32> to vector<16xi32>
        %swap3A_1192 = vector.shape_cast %sub3A_1187 : vector<16xi32> to vector<1x16xi32>
        tpu.vector_store %arg6[%swap3A_1188, %swap3A_1189], %swap3A_1192 {strides = array<i32>} : memref<200x128xi32, #tpu.memory_space<vmem>>, vector<1x16xi32>,
        %dma_wait3A_1193 = arith.constant 0 : i32
        %dma_wait3A_1194 = tpu.memref_slice %arg4[%mul3A_879, %dma_wait3A_1193] : memref<819200x128xf32, #tpu.memory_space<hbm>> -> memref<128x128xf32, #tpu.memory_space<hbm>>
        %dma_wait3A_1195 = arith.constant 0 : i32
        %dma_wait3A_1196 = tpu.memref_slice %arg4[%mul3A_879, %dma_wait3A_1195] : memref<819200x128xf32, #tpu.memory_space<hbm>> -> memref<128x128xf32, #tpu.memory_space<hbm>>
        tpu.wait_dma2 semaphore(%arg13 : memref<!tpu.dma_semaphore, #tpu.memory_space<semaphore_mem>>) src(%arg7 : memref<128x128xf32, #tpu.memory_space<vmem>>) dst(%dma_wait3A_1196 : memref<128x128xf32, #tpu.memory_space<hbm>>)
        %mul3A_1197 = arith.constant 1 : i32
        %mul3A_1198 = arith.muli %add3A_862, %mul3A_1197 : i32
        %add3A_1199 = arith.constant 0 : i32
        %add3A_1200 = arith.addi %mul3A_1198, %add3A_1199 : i32
        %dma_start3A_1201 = arith.constant 0 : i32
        %dma_start3A_1202 = arith.constant 0 : i32
        %dma_start3A_1203 = tpu.memref_slice %arg7[%dma_start3A_1201, %dma_start3A_1202] : memref<128x128xf32, #tpu.memory_space<vmem>> -> memref<128x128xf32, #tpu.memory_space<vmem>>
        %dma_start3A_1204 = arith.constant 0 : i32
        %dma_start3A_1205 = tpu.memref_slice %arg6[%add3A_1200, %dma_start3A_1204] : memref<200x128xi32, #tpu.memory_space<vmem>> -> memref<1x128xi32, #tpu.memory_space<vmem>>
        %dma_start3A_1206 = tpu.memref_squeeze %dma_start3A_1205 : memref<1x128xi32, #tpu.memory_space<vmem>> -> memref<128xi32, #tpu.memory_space<vmem>>
        %dma_start3A_1207 = arith.constant 0 : i32
        %dma_start3A_1208 = arith.constant 0 : i32
        %dma_start3A_1209 = tpu.memref_slice %arg5[%dma_start3A_1207, %dma_start3A_1208] : memref<366x128xf32, #tpu.memory_space<vmem_shared>> -> memref<366x128xf32, #tpu.memory_space<vmem_shared>>
        tpu.enqueue_indirect_dma source(%dma_start3A_1209 : memref<366x128xf32, #tpu.memory_space<vmem_shared>>) target(%dma_start3A_1203 : memref<128x128xf32, #tpu.memory_space<vmem>>) offsets(%dma_start3A_1206 : memref<128xi32, #tpu.memory_space<vmem>>) semaphore(%arg12 : memref<!tpu.dma_semaphore, #tpu.memory_space<semaphore_mem>>)
      } else {
      }
      %ge3A = arith.constant 200 : i32
      %ge3A_888 = arith.cmpi sge, %add3A_862, %ge3A : i32
      %convert_element_type3A_889 = arith.extui %ge3A_888 : i1 to i32
      %cond3A_890 = arith.constant 0 : i32
      %cond3A_891 = arith.cmpi ne, %convert_element_type3A_889, %cond3A_890 : i32
      scf.if %cond3A_891 {
        %dma_wait3A_1045 = arith.constant 0 : i32
        %dma_wait3A_1046 = tpu.memref_slice %arg4[%mul3A_879, %dma_wait3A_1045] : memref<819200x128xf32, #tpu.memory_space<hbm>> -> memref<128x128xf32, #tpu.memory_space<hbm>>
        %dma_wait3A_1047 = arith.constant 0 : i32
        %dma_wait3A_1048 = tpu.memref_slice %arg4[%mul3A_879, %dma_wait3A_1047] : memref<819200x128xf32, #tpu.memory_space<hbm>> -> memref<128x128xf32, #tpu.memory_space<hbm>>
        tpu.wait_dma2 semaphore(%arg13 : memref<!tpu.dma_semaphore, #tpu.memory_space<semaphore_mem>>) src(%arg7 : memref<128x128xf32, #tpu.memory_space<vmem>>) dst(%dma_wait3A_1048 : memref<128x128xf32, #tpu.memory_space<hbm>>)
      } else {
      }
      %mul3A_892 = arith.constant 5 : i32
      %mul3A_893 = arith.muli %scan3A_855, %mul3A_892 : i32
      %add3A_894 = arith.constant 1 : i32
      %add3A_895 = arith.addi %mul3A_893, %add3A_894 : i32
      %add3A_896 = arith.constant 5 : i32
      %add3A_897 = arith.addi %add3A_895, %add3A_896 : i32
      %mul3A_898 = arith.constant 1 : i32
      %mul3A_899 = arith.muli %add3A_895, %mul3A_898 : i32
      %add3A_900 = arith.constant 0 : i32
      %add3A_901 = arith.addi %mul3A_899, %add3A_900 : i32
      %dma_wait3A_902 = arith.constant 0 : i32
      %dma_wait3A_903 = arith.constant 0 : i32
      %dma_wait3A_904 = tpu.memref_slice %arg8[%dma_wait3A_902, %dma_wait3A_903] : memref<128x128xf32, #tpu.memory_space<vmem>> -> memref<128x128xf32, #tpu.memory_space<vmem>>
      %dma_wait3A_905 = arith.constant 0 : i32
      %dma_wait3A_906 = tpu.memref_slice %arg6[%add3A_901, %dma_wait3A_905] : memref<200x128xi32, #tpu.memory_space<vmem>> -> memref<1x128xi32, #tpu.memory_space<vmem>>
      %dma_wait3A_907 = tpu.memref_squeeze %dma_wait3A_906 : memref<1x128xi32, #tpu.memory_space<vmem>> -> memref<128xi32, #tpu.memory_space<vmem>>
      %dma_wait3A_908 = arith.constant 0 : i32
      %dma_wait3A_909 = arith.constant 0 : i32
      %dma_wait3A_910 = tpu.memref_slice %arg5[%dma_wait3A_908, %dma_wait3A_909] : memref<366x128xf32, #tpu.memory_space<vmem_shared>> -> memref<366x128xf32, #tpu.memory_space<vmem_shared>>
      tpu.wait_indirect_dma semaphore(%arg12 : memref<!tpu.dma_semaphore, #tpu.memory_space<semaphore_mem>>) src(%dma_wait3A_910 : memref<366x128xf32, #tpu.memory_space<vmem_shared>>) dst(%dma_wait3A_904 : memref<128x128xf32, #tpu.memory_space<vmem>>)
      %mul3A_911 = arith.constant 1 : i32
      %mul3A_912 = arith.muli %add3A_895, %mul3A_911 : i32
      %add3A_913 = arith.addi %mul3A_2, %mul3A_912 : i32
      %mul3A_914 = arith.constant 128 : i32
      %mul3A_915 = arith.muli %add3A_913, %mul3A_914 : i32
      %dma_start3A_916 = arith.constant 0 : i32
      %dma_start3A_917 = tpu.memref_slice %arg4[%mul3A_915, %dma_start3A_916] : memref<819200x128xf32, #tpu.memory_space<hbm>> -> memref<128x128xf32, #tpu.memory_space<hbm>>
      %dma_start3A_918 = arith.constant 0 : i32
      %dma_start3A_919 = tpu.memref_slice %arg4[%mul3A_915, %dma_start3A_918] : memref<819200x128xf32, #tpu.memory_space<hbm>> -> memref<128x128xf32, #tpu.memory_space<hbm>>
      tpu.enqueue_dma source(%arg8 : memref<128x128xf32, #tpu.memory_space<vmem>>) target(%dma_start3A_919 : memref<128x128xf32, #tpu.memory_space<hbm>>) target_semaphore(%arg14 : memref<!tpu.dma_semaphore, #tpu.memory_space<semaphore_mem>>)
      %lt3A_920 = arith.constant 200 : i32
      %lt3A_921 = arith.cmpi slt, %add3A_897, %lt3A_920 : i32
      %convert_element_type3A_922 = arith.extui %lt3A_921 : i1 to i32
      %cond3A_923 = arith.constant 0 : i32
      %cond3A_924 = arith.cmpi ne, %convert_element_type3A_922, %cond3A_923 : i32
      scf.if %cond3A_924 {
        %mul3A_1045 = arith.constant 1 : i32
        %mul3A_1046 = arith.muli %add3A_897, %mul3A_1045 : i32
        %add3A_1047 = arith.constant 0 : i32
        %add3A_1048 = arith.addi %mul3A_1046, %add3A_1047 : i32
        %get3A_1049 = arith.index_cast %add3A_1048 : i32 to index
        %get3A_1050 = arith.constant 0 : index
        %get3A_1051 = tpu.vector_load %arg6[%get3A_1049, %get3A_1050] {strides = array<i32>} : memref<200x128xi32, #tpu.memory_space<vmem>>, vector<1x16xi32>,
        %get3A_1052 = vector.shape_cast %get3A_1051 : vector<1x16xi32> to vector<16xi32>
        %min3A_1053 = arith.constant 366 : i32
        %min3A_1054 = vector.broadcast %min3A_1053 : i32 to vector<16xi32>
        %min3A_1055 = arith.minsi %get3A_1052, %min3A_1054 : vector<16xi32>
        %max3A_1056 = arith.constant 1 : i32
        %max3A_1057 = vector.broadcast %max3A_1056 : i32 to vector<16xi32>
        %max3A_1058 = arith.maxsi %min3A_1055, %max3A_1057 : vector<16xi32>
        %sub3A_1059 = arith.constant 1 : i32
        %sub3A_1060 = vector.broadcast %sub3A_1059 : i32 to vector<16xi32>
        %sub3A_1061 = arith.subi %max3A_1058, %sub3A_1060 : vector<16xi32>
        %swap3A_1062 = arith.index_cast %add3A_1048 : i32 to index
        %swap3A_1063 = arith.constant 0 : index
        %swap3A_1064 = tpu.vector_load %arg6[%swap3A_1062, %swap3A_1063] {strides = array<i32>} : memref<200x128xi32, #tpu.memory_space<vmem>>, vector<1x16xi32>,
        %swap3A_1065 = vector.shape_cast %swap3A_1064 : vector<1x16xi32> to vector<16xi32>
        %swap3A_1066 = vector.shape_cast %sub3A_1061 : vector<16xi32> to vector<1x16xi32>
        tpu.vector_store %arg6[%swap3A_1062, %swap3A_1063], %swap3A_1066 {strides = array<i32>} : memref<200x128xi32, #tpu.memory_space<vmem>>, vector<1x16xi32>,
        %get3A_1067 = arith.index_cast %add3A_1048 : i32 to index
        %get3A_1068 = arith.constant 16 : index
        %get3A_1069 = tpu.vector_load %arg6[%get3A_1067, %get3A_1068] {strides = array<i32>} : memref<200x128xi32, #tpu.memory_space<vmem>>, vector<1x16xi32>,
        %get3A_1070 = vector.shape_cast %get3A_1069 : vector<1x16xi32> to vector<16xi32>
        %min3A_1071 = arith.constant 366 : i32
        %min3A_1072 = vector.broadcast %min3A_1071 : i32 to vector<16xi32>
        %min3A_1073 = arith.minsi %get3A_1070, %min3A_1072 : vector<16xi32>
        %max3A_1074 = arith.constant 1 : i32
        %max3A_1075 = vector.broadcast %max3A_1074 : i32 to vector<16xi32>
        %max3A_1076 = arith.maxsi %min3A_1073, %max3A_1075 : vector<16xi32>
        %sub3A_1077 = arith.constant 1 : i32
        %sub3A_1078 = vector.broadcast %sub3A_1077 : i32 to vector<16xi32>
        %sub3A_1079 = arith.subi %max3A_1076, %sub3A_1078 : vector<16xi32>
        %swap3A_1080 = arith.index_cast %add3A_1048 : i32 to index
        %swap3A_1081 = arith.constant 16 : index
        %swap3A_1082 = tpu.vector_load %arg6[%swap3A_1080, %swap3A_1081] {strides = array<i32>} : memref<200x128xi32, #tpu.memory_space<vmem>>, vector<1x16xi32>,
        %swap3A_1083 = vector.shape_cast %swap3A_1082 : vector<1x16xi32> to vector<16xi32>
        %swap3A_1084 = vector.shape_cast %sub3A_1079 : vector<16xi32> to vector<1x16xi32>
        tpu.vector_store %arg6[%swap3A_1080, %swap3A_1081], %swap3A_1084 {strides = array<i32>} : memref<200x128xi32, #tpu.memory_space<vmem>>, vector<1x16xi32>,
        %get3A_1085 = arith.index_cast %add3A_1048 : i32 to index
        %get3A_1086 = arith.constant 32 : index
        %get3A_1087 = tpu.vector_load %arg6[%get3A_1085, %get3A_1086] {strides = array<i32>} : memref<200x128xi32, #tpu.memory_space<vmem>>, vector<1x16xi32>,
        %get3A_1088 = vector.shape_cast %get3A_1087 : vector<1x16xi32> to vector<16xi32>
        %min3A_1089 = arith.constant 366 : i32
        %min3A_1090 = vector.broadcast %min3A_1089 : i32 to vector<16xi32>
        %min3A_1091 = arith.minsi %get3A_1088, %min3A_1090 : vector<16xi32>
        %max3A_1092 = arith.constant 1 : i32
        %max3A_1093 = vector.broadcast %max3A_1092 : i32 to vector<16xi32>
        %max3A_1094 = arith.maxsi %min3A_1091, %max3A_1093 : vector<16xi32>
        %sub3A_1095 = arith.constant 1 : i32
        %sub3A_1096 = vector.broadcast %sub3A_1095 : i32 to vector<16xi32>
        %sub3A_1097 = arith.subi %max3A_1094, %sub3A_1096 : vector<16xi32>
        %swap3A_1098 = arith.index_cast %add3A_1048 : i32 to index
        %swap3A_1099 = arith.constant 32 : index
        %swap3A_1100 = tpu.vector_load %arg6[%swap3A_1098, %swap3A_1099] {strides = array<i32>} : memref<200x128xi32, #tpu.memory_space<vmem>>, vector<1x16xi32>,
        %swap3A_1101 = vector.shape_cast %swap3A_1100 : vector<1x16xi32> to vector<16xi32>
        %swap3A_1102 = vector.shape_cast %sub3A_1097 : vector<16xi32> to vector<1x16xi32>
        tpu.vector_store %arg6[%swap3A_1098, %swap3A_1099], %swap3A_1102 {strides = array<i32>} : memref<200x128xi32, #tpu.memory_space<vmem>>, vector<1x16xi32>,
        %get3A_1103 = arith.index_cast %add3A_1048 : i32 to index
        %get3A_1104 = arith.constant 48 : index
        %get3A_1105 = tpu.vector_load %arg6[%get3A_1103, %get3A_1104] {strides = array<i32>} : memref<200x128xi32, #tpu.memory_space<vmem>>, vector<1x16xi32>,
        %get3A_1106 = vector.shape_cast %get3A_1105 : vector<1x16xi32> to vector<16xi32>
        %min3A_1107 = arith.constant 366 : i32
        %min3A_1108 = vector.broadcast %min3A_1107 : i32 to vector<16xi32>
        %min3A_1109 = arith.minsi %get3A_1106, %min3A_1108 : vector<16xi32>
        %max3A_1110 = arith.constant 1 : i32
        %max3A_1111 = vector.broadcast %max3A_1110 : i32 to vector<16xi32>
        %max3A_1112 = arith.maxsi %min3A_1109, %max3A_1111 : vector<16xi32>
        %sub3A_1113 = arith.constant 1 : i32
        %sub3A_1114 = vector.broadcast %sub3A_1113 : i32 to vector<16xi32>
        %sub3A_1115 = arith.subi %max3A_1112, %sub3A_1114 : vector<16xi32>
        %swap3A_1116 = arith.index_cast %add3A_1048 : i32 to index
        %swap3A_1117 = arith.constant 48 : index
        %swap3A_1118 = tpu.vector_load %arg6[%swap3A_1116, %swap3A_1117] {strides = array<i32>} : memref<200x128xi32, #tpu.memory_space<vmem>>, vector<1x16xi32>,
        %swap3A_1119 = vector.shape_cast %swap3A_1118 : vector<1x16xi32> to vector<16xi32>
        %swap3A_1120 = vector.shape_cast %sub3A_1115 : vector<16xi32> to vector<1x16xi32>
        tpu.vector_store %arg6[%swap3A_1116, %swap3A_1117], %swap3A_1120 {strides = array<i32>} : memref<200x128xi32, #tpu.memory_space<vmem>>, vector<1x16xi32>,
        %get3A_1121 = arith.index_cast %add3A_1048 : i32 to index
        %get3A_1122 = arith.constant 64 : index
        %get3A_1123 = tpu.vector_load %arg6[%get3A_1121, %get3A_1122] {strides = array<i32>} : memref<200x128xi32, #tpu.memory_space<vmem>>, vector<1x16xi32>,
        %get3A_1124 = vector.shape_cast %get3A_1123 : vector<1x16xi32> to vector<16xi32>
        %min3A_1125 = arith.constant 366 : i32
        %min3A_1126 = vector.broadcast %min3A_1125 : i32 to vector<16xi32>
        %min3A_1127 = arith.minsi %get3A_1124, %min3A_1126 : vector<16xi32>
        %max3A_1128 = arith.constant 1 : i32
        %max3A_1129 = vector.broadcast %max3A_1128 : i32 to vector<16xi32>
        %max3A_1130 = arith.maxsi %min3A_1127, %max3A_1129 : vector<16xi32>
        %sub3A_1131 = arith.constant 1 : i32
        %sub3A_1132 = vector.broadcast %sub3A_1131 : i32 to vector<16xi32>
        %sub3A_1133 = arith.subi %max3A_1130, %sub3A_1132 : vector<16xi32>
        %swap3A_1134 = arith.index_cast %add3A_1048 : i32 to index
        %swap3A_1135 = arith.constant 64 : index
        %swap3A_1136 = tpu.vector_load %arg6[%swap3A_1134, %swap3A_1135] {strides = array<i32>} : memref<200x128xi32, #tpu.memory_space<vmem>>, vector<1x16xi32>,
        %swap3A_1137 = vector.shape_cast %swap3A_1136 : vector<1x16xi32> to vector<16xi32>
        %swap3A_1138 = vector.shape_cast %sub3A_1133 : vector<16xi32> to vector<1x16xi32>
        tpu.vector_store %arg6[%swap3A_1134, %swap3A_1135], %swap3A_1138 {strides = array<i32>} : memref<200x128xi32, #tpu.memory_space<vmem>>, vector<1x16xi32>,
        %get3A_1139 = arith.index_cast %add3A_1048 : i32 to index
        %get3A_1140 = arith.constant 80 : index
        %get3A_1141 = tpu.vector_load %arg6[%get3A_1139, %get3A_1140] {strides = array<i32>} : memref<200x128xi32, #tpu.memory_space<vmem>>, vector<1x16xi32>,
        %get3A_1142 = vector.shape_cast %get3A_1141 : vector<1x16xi32> to vector<16xi32>
        %min3A_1143 = arith.constant 366 : i32
        %min3A_1144 = vector.broadcast %min3A_1143 : i32 to vector<16xi32>
        %min3A_1145 = arith.minsi %get3A_1142, %min3A_1144 : vector<16xi32>
        %max3A_1146 = arith.constant 1 : i32
        %max3A_1147 = vector.broadcast %max3A_1146 : i32 to vector<16xi32>
        %max3A_1148 = arith.maxsi %min3A_1145, %max3A_1147 : vector<16xi32>
        %sub3A_1149 = arith.constant 1 : i32
        %sub3A_1150 = vector.broadcast %sub3A_1149 : i32 to vector<16xi32>
        %sub3A_1151 = arith.subi %max3A_1148, %sub3A_1150 : vector<16xi32>
        %swap3A_1152 = arith.index_cast %add3A_1048 : i32 to index
        %swap3A_1153 = arith.constant 80 : index
        %swap3A_1154 = tpu.vector_load %arg6[%swap3A_1152, %swap3A_1153] {strides = array<i32>} : memref<200x128xi32, #tpu.memory_space<vmem>>, vector<1x16xi32>,
        %swap3A_1155 = vector.shape_cast %swap3A_1154 : vector<1x16xi32> to vector<16xi32>
        %swap3A_1156 = vector.shape_cast %sub3A_1151 : vector<16xi32> to vector<1x16xi32>
        tpu.vector_store %arg6[%swap3A_1152, %swap3A_1153], %swap3A_1156 {strides = array<i32>} : memref<200x128xi32, #tpu.memory_space<vmem>>, vector<1x16xi32>,
        %get3A_1157 = arith.index_cast %add3A_1048 : i32 to index
        %get3A_1158 = arith.constant 96 : index
        %get3A_1159 = tpu.vector_load %arg6[%get3A_1157, %get3A_1158] {strides = array<i32>} : memref<200x128xi32, #tpu.memory_space<vmem>>, vector<1x16xi32>,
        %get3A_1160 = vector.shape_cast %get3A_1159 : vector<1x16xi32> to vector<16xi32>
        %min3A_1161 = arith.constant 366 : i32
        %min3A_1162 = vector.broadcast %min3A_1161 : i32 to vector<16xi32>
        %min3A_1163 = arith.minsi %get3A_1160, %min3A_1162 : vector<16xi32>
        %max3A_1164 = arith.constant 1 : i32
        %max3A_1165 = vector.broadcast %max3A_1164 : i32 to vector<16xi32>
        %max3A_1166 = arith.maxsi %min3A_1163, %max3A_1165 : vector<16xi32>
        %sub3A_1167 = arith.constant 1 : i32
        %sub3A_1168 = vector.broadcast %sub3A_1167 : i32 to vector<16xi32>
        %sub3A_1169 = arith.subi %max3A_1166, %sub3A_1168 : vector<16xi32>
        %swap3A_1170 = arith.index_cast %add3A_1048 : i32 to index
        %swap3A_1171 = arith.constant 96 : index
        %swap3A_1172 = tpu.vector_load %arg6[%swap3A_1170, %swap3A_1171] {strides = array<i32>} : memref<200x128xi32, #tpu.memory_space<vmem>>, vector<1x16xi32>,
        %swap3A_1173 = vector.shape_cast %swap3A_1172 : vector<1x16xi32> to vector<16xi32>
        %swap3A_1174 = vector.shape_cast %sub3A_1169 : vector<16xi32> to vector<1x16xi32>
        tpu.vector_store %arg6[%swap3A_1170, %swap3A_1171], %swap3A_1174 {strides = array<i32>} : memref<200x128xi32, #tpu.memory_space<vmem>>, vector<1x16xi32>,
        %get3A_1175 = arith.index_cast %add3A_1048 : i32 to index
        %get3A_1176 = arith.constant 112 : index
        %get3A_1177 = tpu.vector_load %arg6[%get3A_1175, %get3A_1176] {strides = array<i32>} : memref<200x128xi32, #tpu.memory_space<vmem>>, vector<1x16xi32>,
        %get3A_1178 = vector.shape_cast %get3A_1177 : vector<1x16xi32> to vector<16xi32>
        %min3A_1179 = arith.constant 366 : i32
        %min3A_1180 = vector.broadcast %min3A_1179 : i32 to vector<16xi32>
        %min3A_1181 = arith.minsi %get3A_1178, %min3A_1180 : vector<16xi32>
        %max3A_1182 = arith.constant 1 : i32
        %max3A_1183 = vector.broadcast %max3A_1182 : i32 to vector<16xi32>
        %max3A_1184 = arith.maxsi %min3A_1181, %max3A_1183 : vector<16xi32>
        %sub3A_1185 = arith.constant 1 : i32
        %sub3A_1186 = vector.broadcast %sub3A_1185 : i32 to vector<16xi32>
        %sub3A_1187 = arith.subi %max3A_1184, %sub3A_1186 : vector<16xi32>
        %swap3A_1188 = arith.index_cast %add3A_1048 : i32 to index
        %swap3A_1189 = arith.constant 112 : index
        %swap3A_1190 = tpu.vector_load %arg6[%swap3A_1188, %swap3A_1189] {strides = array<i32>} : memref<200x128xi32, #tpu.memory_space<vmem>>, vector<1x16xi32>,
        %swap3A_1191 = vector.shape_cast %swap3A_1190 : vector<1x16xi32> to vector<16xi32>
        %swap3A_1192 = vector.shape_cast %sub3A_1187 : vector<16xi32> to vector<1x16xi32>
        tpu.vector_store %arg6[%swap3A_1188, %swap3A_1189], %swap3A_1192 {strides = array<i32>} : memref<200x128xi32, #tpu.memory_space<vmem>>, vector<1x16xi32>,
        %dma_wait3A_1193 = arith.constant 0 : i32
        %dma_wait3A_1194 = tpu.memref_slice %arg4[%mul3A_915, %dma_wait3A_1193] : memref<819200x128xf32, #tpu.memory_space<hbm>> -> memref<128x128xf32, #tpu.memory_space<hbm>>
        %dma_wait3A_1195 = arith.constant 0 : i32
        %dma_wait3A_1196 = tpu.memref_slice %arg4[%mul3A_915, %dma_wait3A_1195] : memref<819200x128xf32, #tpu.memory_space<hbm>> -> memref<128x128xf32, #tpu.memory_space<hbm>>
        tpu.wait_dma2 semaphore(%arg14 : memref<!tpu.dma_semaphore, #tpu.memory_space<semaphore_mem>>) src(%arg8 : memref<128x128xf32, #tpu.memory_space<vmem>>) dst(%dma_wait3A_1196 : memref<128x128xf32, #tpu.memory_space<hbm>>)
        %mul3A_1197 = arith.constant 1 : i32
        %mul3A_1198 = arith.muli %add3A_897, %mul3A_1197 : i32
        %add3A_1199 = arith.constant 0 : i32
        %add3A_1200 = arith.addi %mul3A_1198, %add3A_1199 : i32
        %dma_start3A_1201 = arith.constant 0 : i32
        %dma_start3A_1202 = arith.constant 0 : i32
        %dma_start3A_1203 = tpu.memref_slice %arg8[%dma_start3A_1201, %dma_start3A_1202] : memref<128x128xf32, #tpu.memory_space<vmem>> -> memref<128x128xf32, #tpu.memory_space<vmem>>
        %dma_start3A_1204 = arith.constant 0 : i32
        %dma_start3A_1205 = tpu.memref_slice %arg6[%add3A_1200, %dma_start3A_1204] : memref<200x128xi32, #tpu.memory_space<vmem>> -> memref<1x128xi32, #tpu.memory_space<vmem>>
        %dma_start3A_1206 = tpu.memref_squeeze %dma_start3A_1205 : memref<1x128xi32, #tpu.memory_space<vmem>> -> memref<128xi32, #tpu.memory_space<vmem>>
        %dma_start3A_1207 = arith.constant 0 : i32
        %dma_start3A_1208 = arith.constant 0 : i32
        %dma_start3A_1209 = tpu.memref_slice %arg5[%dma_start3A_1207, %dma_start3A_1208] : memref<366x128xf32, #tpu.memory_space<vmem_shared>> -> memref<366x128xf32, #tpu.memory_space<vmem_shared>>
        tpu.enqueue_indirect_dma source(%dma_start3A_1209 : memref<366x128xf32, #tpu.memory_space<vmem_shared>>) target(%dma_start3A_1203 : memref<128x128xf32, #tpu.memory_space<vmem>>) offsets(%dma_start3A_1206 : memref<128xi32, #tpu.memory_space<vmem>>) semaphore(%arg12 : memref<!tpu.dma_semaphore, #tpu.memory_space<semaphore_mem>>)
      } else {
      }
      %ge3A_925 = arith.constant 200 : i32
      %ge3A_926 = arith.cmpi sge, %add3A_897, %ge3A_925 : i32
      %convert_element_type3A_927 = arith.extui %ge3A_926 : i1 to i32
      %cond3A_928 = arith.constant 0 : i32
      %cond3A_929 = arith.cmpi ne, %convert_element_type3A_927, %cond3A_928 : i32
      scf.if %cond3A_929 {
        %dma_wait3A_1045 = arith.constant 0 : i32
        %dma_wait3A_1046 = tpu.memref_slice %arg4[%mul3A_915, %dma_wait3A_1045] : memref<819200x128xf32, #tpu.memory_space<hbm>> -> memref<128x128xf32, #tpu.memory_space<hbm>>
        %dma_wait3A_1047 = arith.constant 0 : i32
        %dma_wait3A_1048 = tpu.memref_slice %arg4[%mul3A_915, %dma_wait3A_1047] : memref<819200x128xf32, #tpu.memory_space<hbm>> -> memref<128x128xf32, #tpu.memory_space<hbm>>
        tpu.wait_dma2 semaphore(%arg14 : memref<!tpu.dma_semaphore, #tpu.memory_space<semaphore_mem>>) src(%arg8 : memref<128x128xf32, #tpu.memory_space<vmem>>) dst(%dma_wait3A_1048 : memref<128x128xf32, #tpu.memory_space<hbm>>)
      } else {
      }
      %mul3A_930 = arith.constant 5 : i32
      %mul3A_931 = arith.muli %scan3A_855, %mul3A_930 : i32
      %add3A_932 = arith.constant 2 : i32
      %add3A_933 = arith.addi %mul3A_931, %add3A_932 : i32
      %add3A_934 = arith.constant 5 : i32
      %add3A_935 = arith.addi %add3A_933, %add3A_934 : i32
      %mul3A_936 = arith.constant 1 : i32
      %mul3A_937 = arith.muli %add3A_933, %mul3A_936 : i32
      %add3A_938 = arith.constant 0 : i32
      %add3A_939 = arith.addi %mul3A_937, %add3A_938 : i32
      %dma_wait3A_940 = arith.constant 0 : i32
      %dma_wait3A_941 = arith.constant 0 : i32
      %dma_wait3A_942 = tpu.memref_slice %arg9[%dma_wait3A_940, %dma_wait3A_941] : memref<128x128xf32, #tpu.memory_space<vmem>> -> memref<128x128xf32, #tpu.memory_space<vmem>>
      %dma_wait3A_943 = arith.constant 0 : i32
      %dma_wait3A_944 = tpu.memref_slice %arg6[%add3A_939, %dma_wait3A_943] : memref<200x128xi32, #tpu.memory_space<vmem>> -> memref<1x128xi32, #tpu.memory_space<vmem>>
      %dma_wait3A_945 = tpu.memref_squeeze %dma_wait3A_944 : memref<1x128xi32, #tpu.memory_space<vmem>> -> memref<128xi32, #tpu.memory_space<vmem>>
      %dma_wait3A_946 = arith.constant 0 : i32
      %dma_wait3A_947 = arith.constant 0 : i32
      %dma_wait3A_948 = tpu.memref_slice %arg5[%dma_wait3A_946, %dma_wait3A_947] : memref<366x128xf32, #tpu.memory_space<vmem_shared>> -> memref<366x128xf32, #tpu.memory_space<vmem_shared>>
      tpu.wait_indirect_dma semaphore(%arg12 : memref<!tpu.dma_semaphore, #tpu.memory_space<semaphore_mem>>) src(%dma_wait3A_948 : memref<366x128xf32, #tpu.memory_space<vmem_shared>>) dst(%dma_wait3A_942 : memref<128x128xf32, #tpu.memory_space<vmem>>)
      %mul3A_949 = arith.constant 1 : i32
      %mul3A_950 = arith.muli %add3A_933, %mul3A_949 : i32
      %add3A_951 = arith.addi %mul3A_2, %mul3A_950 : i32
      %mul3A_952 = arith.constant 128 : i32
      %mul3A_953 = arith.muli %add3A_951, %mul3A_952 : i32
      %dma_start3A_954 = arith.constant 0 : i32
      %dma_start3A_955 = tpu.memref_slice %arg4[%mul3A_953, %dma_start3A_954] : memref<819200x128xf32, #tpu.memory_space<hbm>> -> memref<128x128xf32, #tpu.memory_space<hbm>>
      %dma_start3A_956 = arith.constant 0 : i32
      %dma_start3A_957 = tpu.memref_slice %arg4[%mul3A_953, %dma_start3A_956] : memref<819200x128xf32, #tpu.memory_space<hbm>> -> memref<128x128xf32, #tpu.memory_space<hbm>>
      tpu.enqueue_dma source(%arg9 : memref<128x128xf32, #tpu.memory_space<vmem>>) target(%dma_start3A_957 : memref<128x128xf32, #tpu.memory_space<hbm>>) target_semaphore(%arg15 : memref<!tpu.dma_semaphore, #tpu.memory_space<semaphore_mem>>)
      %lt3A_958 = arith.constant 200 : i32
      %lt3A_959 = arith.cmpi slt, %add3A_935, %lt3A_958 : i32
      %convert_element_type3A_960 = arith.extui %lt3A_959 : i1 to i32
      %cond3A_961 = arith.constant 0 : i32
      %cond3A_962 = arith.cmpi ne, %convert_element_type3A_960, %cond3A_961 : i32
      scf.if %cond3A_962 {
        %mul3A_1045 = arith.constant 1 : i32
        %mul3A_1046 = arith.muli %add3A_935, %mul3A_1045 : i32
        %add3A_1047 = arith.constant 0 : i32
        %add3A_1048 = arith.addi %mul3A_1046, %add3A_1047 : i32
        %get3A_1049 = arith.index_cast %add3A_1048 : i32 to index
        %get3A_1050 = arith.constant 0 : index
        %get3A_1051 = tpu.vector_load %arg6[%get3A_1049, %get3A_1050] {strides = array<i32>} : memref<200x128xi32, #tpu.memory_space<vmem>>, vector<1x16xi32>,
        %get3A_1052 = vector.shape_cast %get3A_1051 : vector<1x16xi32> to vector<16xi32>
        %min3A_1053 = arith.constant 366 : i32
        %min3A_1054 = vector.broadcast %min3A_1053 : i32 to vector<16xi32>
        %min3A_1055 = arith.minsi %get3A_1052, %min3A_1054 : vector<16xi32>
        %max3A_1056 = arith.constant 1 : i32
        %max3A_1057 = vector.broadcast %max3A_1056 : i32 to vector<16xi32>
        %max3A_1058 = arith.maxsi %min3A_1055, %max3A_1057 : vector<16xi32>
        %sub3A_1059 = arith.constant 1 : i32
        %sub3A_1060 = vector.broadcast %sub3A_1059 : i32 to vector<16xi32>
        %sub3A_1061 = arith.subi %max3A_1058, %sub3A_1060 : vector<16xi32>
        %swap3A_1062 = arith.index_cast %add3A_1048 : i32 to index
        %swap3A_1063 = arith.constant 0 : index
        %swap3A_1064 = tpu.vector_load %arg6[%swap3A_1062, %swap3A_1063] {strides = array<i32>} : memref<200x128xi32, #tpu.memory_space<vmem>>, vector<1x16xi32>,
        %swap3A_1065 = vector.shape_cast %swap3A_1064 : vector<1x16xi32> to vector<16xi32>
        %swap3A_1066 = vector.shape_cast %sub3A_1061 : vector<16xi32> to vector<1x16xi32>
        tpu.vector_store %arg6[%swap3A_1062, %swap3A_1063], %swap3A_1066 {strides = array<i32>} : memref<200x128xi32, #tpu.memory_space<vmem>>, vector<1x16xi32>,
        %get3A_1067 = arith.index_cast %add3A_1048 : i32 to index
        %get3A_1068 = arith.constant 16 : index
        %get3A_1069 = tpu.vector_load %arg6[%get3A_1067, %get3A_1068] {strides = array<i32>} : memref<200x128xi32, #tpu.memory_space<vmem>>, vector<1x16xi32>,
        %get3A_1070 = vector.shape_cast %get3A_1069 : vector<1x16xi32> to vector<16xi32>
        %min3A_1071 = arith.constant 366 : i32
        %min3A_1072 = vector.broadcast %min3A_1071 : i32 to vector<16xi32>
        %min3A_1073 = arith.minsi %get3A_1070, %min3A_1072 : vector<16xi32>
        %max3A_1074 = arith.constant 1 : i32
        %max3A_1075 = vector.broadcast %max3A_1074 : i32 to vector<16xi32>
        %max3A_1076 = arith.maxsi %min3A_1073, %max3A_1075 : vector<16xi32>
        %sub3A_1077 = arith.constant 1 : i32
        %sub3A_1078 = vector.broadcast %sub3A_1077 : i32 to vector<16xi32>
        %sub3A_1079 = arith.subi %max3A_1076, %sub3A_1078 : vector<16xi32>
        %swap3A_1080 = arith.index_cast %add3A_1048 : i32 to index
        %swap3A_1081 = arith.constant 16 : index
        %swap3A_1082 = tpu.vector_load %arg6[%swap3A_1080, %swap3A_1081] {strides = array<i32>} : memref<200x128xi32, #tpu.memory_space<vmem>>, vector<1x16xi32>,
        %swap3A_1083 = vector.shape_cast %swap3A_1082 : vector<1x16xi32> to vector<16xi32>
        %swap3A_1084 = vector.shape_cast %sub3A_1079 : vector<16xi32> to vector<1x16xi32>
        tpu.vector_store %arg6[%swap3A_1080, %swap3A_1081], %swap3A_1084 {strides = array<i32>} : memref<200x128xi32, #tpu.memory_space<vmem>>, vector<1x16xi32>,
        %get3A_1085 = arith.index_cast %add3A_1048 : i32 to index
        %get3A_1086 = arith.constant 32 : index
        %get3A_1087 = tpu.vector_load %arg6[%get3A_1085, %get3A_1086] {strides = array<i32>} : memref<200x128xi32, #tpu.memory_space<vmem>>, vector<1x16xi32>,
        %get3A_1088 = vector.shape_cast %get3A_1087 : vector<1x16xi32> to vector<16xi32>
        %min3A_1089 = arith.constant 366 : i32
        %min3A_1090 = vector.broadcast %min3A_1089 : i32 to vector<16xi32>
        %min3A_1091 = arith.minsi %get3A_1088, %min3A_1090 : vector<16xi32>
        %max3A_1092 = arith.constant 1 : i32
        %max3A_1093 = vector.broadcast %max3A_1092 : i32 to vector<16xi32>
        %max3A_1094 = arith.maxsi %min3A_1091, %max3A_1093 : vector<16xi32>
        %sub3A_1095 = arith.constant 1 : i32
        %sub3A_1096 = vector.broadcast %sub3A_1095 : i32 to vector<16xi32>
        %sub3A_1097 = arith.subi %max3A_1094, %sub3A_1096 : vector<16xi32>
        %swap3A_1098 = arith.index_cast %add3A_1048 : i32 to index
        %swap3A_1099 = arith.constant 32 : index
        %swap3A_1100 = tpu.vector_load %arg6[%swap3A_1098, %swap3A_1099] {strides = array<i32>} : memref<200x128xi32, #tpu.memory_space<vmem>>, vector<1x16xi32>,
        %swap3A_1101 = vector.shape_cast %swap3A_1100 : vector<1x16xi32> to vector<16xi32>
        %swap3A_1102 = vector.shape_cast %sub3A_1097 : vector<16xi32> to vector<1x16xi32>
        tpu.vector_store %arg6[%swap3A_1098, %swap3A_1099], %swap3A_1102 {strides = array<i32>} : memref<200x128xi32, #tpu.memory_space<vmem>>, vector<1x16xi32>,
        %get3A_1103 = arith.index_cast %add3A_1048 : i32 to index
        %get3A_1104 = arith.constant 48 : index
        %get3A_1105 = tpu.vector_load %arg6[%get3A_1103, %get3A_1104] {strides = array<i32>} : memref<200x128xi32, #tpu.memory_space<vmem>>, vector<1x16xi32>,
        %get3A_1106 = vector.shape_cast %get3A_1105 : vector<1x16xi32> to vector<16xi32>
        %min3A_1107 = arith.constant 366 : i32
        %min3A_1108 = vector.broadcast %min3A_1107 : i32 to vector<16xi32>
        %min3A_1109 = arith.minsi %get3A_1106, %min3A_1108 : vector<16xi32>
        %max3A_1110 = arith.constant 1 : i32
        %max3A_1111 = vector.broadcast %max3A_1110 : i32 to vector<16xi32>
        %max3A_1112 = arith.maxsi %min3A_1109, %max3A_1111 : vector<16xi32>
        %sub3A_1113 = arith.constant 1 : i32
        %sub3A_1114 = vector.broadcast %sub3A_1113 : i32 to vector<16xi32>
        %sub3A_1115 = arith.subi %max3A_1112, %sub3A_1114 : vector<16xi32>
        %swap3A_1116 = arith.index_cast %add3A_1048 : i32 to index
        %swap3A_1117 = arith.constant 48 : index
        %swap3A_1118 = tpu.vector_load %arg6[%swap3A_1116, %swap3A_1117] {strides = array<i32>} : memref<200x128xi32, #tpu.memory_space<vmem>>, vector<1x16xi32>,
        %swap3A_1119 = vector.shape_cast %swap3A_1118 : vector<1x16xi32> to vector<16xi32>
        %swap3A_1120 = vector.shape_cast %sub3A_1115 : vector<16xi32> to vector<1x16xi32>
        tpu.vector_store %arg6[%swap3A_1116, %swap3A_1117], %swap3A_1120 {strides = array<i32>} : memref<200x128xi32, #tpu.memory_space<vmem>>, vector<1x16xi32>,
        %get3A_1121 = arith.index_cast %add3A_1048 : i32 to index
        %get3A_1122 = arith.constant 64 : index
        %get3A_1123 = tpu.vector_load %arg6[%get3A_1121, %get3A_1122] {strides = array<i32>} : memref<200x128xi32, #tpu.memory_space<vmem>>, vector<1x16xi32>,
        %get3A_1124 = vector.shape_cast %get3A_1123 : vector<1x16xi32> to vector<16xi32>
        %min3A_1125 = arith.constant 366 : i32
        %min3A_1126 = vector.broadcast %min3A_1125 : i32 to vector<16xi32>
        %min3A_1127 = arith.minsi %get3A_1124, %min3A_1126 : vector<16xi32>
        %max3A_1128 = arith.constant 1 : i32
        %max3A_1129 = vector.broadcast %max3A_1128 : i32 to vector<16xi32>
        %max3A_1130 = arith.maxsi %min3A_1127, %max3A_1129 : vector<16xi32>
        %sub3A_1131 = arith.constant 1 : i32
        %sub3A_1132 = vector.broadcast %sub3A_1131 : i32 to vector<16xi32>
        %sub3A_1133 = arith.subi %max3A_1130, %sub3A_1132 : vector<16xi32>
        %swap3A_1134 = arith.index_cast %add3A_1048 : i32 to index
        %swap3A_1135 = arith.constant 64 : index
        %swap3A_1136 = tpu.vector_load %arg6[%swap3A_1134, %swap3A_1135] {strides = array<i32>} : memref<200x128xi32, #tpu.memory_space<vmem>>, vector<1x16xi32>,
        %swap3A_1137 = vector.shape_cast %swap3A_1136 : vector<1x16xi32> to vector<16xi32>
        %swap3A_1138 = vector.shape_cast %sub3A_1133 : vector<16xi32> to vector<1x16xi32>
        tpu.vector_store %arg6[%swap3A_1134, %swap3A_1135], %swap3A_1138 {strides = array<i32>} : memref<200x128xi32, #tpu.memory_space<vmem>>, vector<1x16xi32>,
        %get3A_1139 = arith.index_cast %add3A_1048 : i32 to index
        %get3A_1140 = arith.constant 80 : index
        %get3A_1141 = tpu.vector_load %arg6[%get3A_1139, %get3A_1140] {strides = array<i32>} : memref<200x128xi32, #tpu.memory_space<vmem>>, vector<1x16xi32>,
        %get3A_1142 = vector.shape_cast %get3A_1141 : vector<1x16xi32> to vector<16xi32>
        %min3A_1143 = arith.constant 366 : i32
        %min3A_1144 = vector.broadcast %min3A_1143 : i32 to vector<16xi32>
        %min3A_1145 = arith.minsi %get3A_1142, %min3A_1144 : vector<16xi32>
        %max3A_1146 = arith.constant 1 : i32
        %max3A_1147 = vector.broadcast %max3A_1146 : i32 to vector<16xi32>
        %max3A_1148 = arith.maxsi %min3A_1145, %max3A_1147 : vector<16xi32>
        %sub3A_1149 = arith.constant 1 : i32
        %sub3A_1150 = vector.broadcast %sub3A_1149 : i32 to vector<16xi32>
        %sub3A_1151 = arith.subi %max3A_1148, %sub3A_1150 : vector<16xi32>
        %swap3A_1152 = arith.index_cast %add3A_1048 : i32 to index
        %swap3A_1153 = arith.constant 80 : index
        %swap3A_1154 = tpu.vector_load %arg6[%swap3A_1152, %swap3A_1153] {strides = array<i32>} : memref<200x128xi32, #tpu.memory_space<vmem>>, vector<1x16xi32>,
        %swap3A_1155 = vector.shape_cast %swap3A_1154 : vector<1x16xi32> to vector<16xi32>
        %swap3A_1156 = vector.shape_cast %sub3A_1151 : vector<16xi32> to vector<1x16xi32>
        tpu.vector_store %arg6[%swap3A_1152, %swap3A_1153], %swap3A_1156 {strides = array<i32>} : memref<200x128xi32, #tpu.memory_space<vmem>>, vector<1x16xi32>,
        %get3A_1157 = arith.index_cast %add3A_1048 : i32 to index
        %get3A_1158 = arith.constant 96 : index
        %get3A_1159 = tpu.vector_load %arg6[%get3A_1157, %get3A_1158] {strides = array<i32>} : memref<200x128xi32, #tpu.memory_space<vmem>>, vector<1x16xi32>,
        %get3A_1160 = vector.shape_cast %get3A_1159 : vector<1x16xi32> to vector<16xi32>
        %min3A_1161 = arith.constant 366 : i32
        %min3A_1162 = vector.broadcast %min3A_1161 : i32 to vector<16xi32>
        %min3A_1163 = arith.minsi %get3A_1160, %min3A_1162 : vector<16xi32>
        %max3A_1164 = arith.constant 1 : i32
        %max3A_1165 = vector.broadcast %max3A_1164 : i32 to vector<16xi32>
        %max3A_1166 = arith.maxsi %min3A_1163, %max3A_1165 : vector<16xi32>
        %sub3A_1167 = arith.constant 1 : i32
        %sub3A_1168 = vector.broadcast %sub3A_1167 : i32 to vector<16xi32>
        %sub3A_1169 = arith.subi %max3A_1166, %sub3A_1168 : vector<16xi32>
        %swap3A_1170 = arith.index_cast %add3A_1048 : i32 to index
        %swap3A_1171 = arith.constant 96 : index
        %swap3A_1172 = tpu.vector_load %arg6[%swap3A_1170, %swap3A_1171] {strides = array<i32>} : memref<200x128xi32, #tpu.memory_space<vmem>>, vector<1x16xi32>,
        %swap3A_1173 = vector.shape_cast %swap3A_1172 : vector<1x16xi32> to vector<16xi32>
        %swap3A_1174 = vector.shape_cast %sub3A_1169 : vector<16xi32> to vector<1x16xi32>
        tpu.vector_store %arg6[%swap3A_1170, %swap3A_1171], %swap3A_1174 {strides = array<i32>} : memref<200x128xi32, #tpu.memory_space<vmem>>, vector<1x16xi32>,
        %get3A_1175 = arith.index_cast %add3A_1048 : i32 to index
        %get3A_1176 = arith.constant 112 : index
        %get3A_1177 = tpu.vector_load %arg6[%get3A_1175, %get3A_1176] {strides = array<i32>} : memref<200x128xi32, #tpu.memory_space<vmem>>, vector<1x16xi32>,
        %get3A_1178 = vector.shape_cast %get3A_1177 : vector<1x16xi32> to vector<16xi32>
        %min3A_1179 = arith.constant 366 : i32
        %min3A_1180 = vector.broadcast %min3A_1179 : i32 to vector<16xi32>
        %min3A_1181 = arith.minsi %get3A_1178, %min3A_1180 : vector<16xi32>
        %max3A_1182 = arith.constant 1 : i32
        %max3A_1183 = vector.broadcast %max3A_1182 : i32 to vector<16xi32>
        %max3A_1184 = arith.maxsi %min3A_1181, %max3A_1183 : vector<16xi32>
        %sub3A_1185 = arith.constant 1 : i32
        %sub3A_1186 = vector.broadcast %sub3A_1185 : i32 to vector<16xi32>
        %sub3A_1187 = arith.subi %max3A_1184, %sub3A_1186 : vector<16xi32>
        %swap3A_1188 = arith.index_cast %add3A_1048 : i32 to index
        %swap3A_1189 = arith.constant 112 : index
        %swap3A_1190 = tpu.vector_load %arg6[%swap3A_1188, %swap3A_1189] {strides = array<i32>} : memref<200x128xi32, #tpu.memory_space<vmem>>, vector<1x16xi32>,
        %swap3A_1191 = vector.shape_cast %swap3A_1190 : vector<1x16xi32> to vector<16xi32>
        %swap3A_1192 = vector.shape_cast %sub3A_1187 : vector<16xi32> to vector<1x16xi32>
        tpu.vector_store %arg6[%swap3A_1188, %swap3A_1189], %swap3A_1192 {strides = array<i32>} : memref<200x128xi32, #tpu.memory_space<vmem>>, vector<1x16xi32>,
        %dma_wait3A_1193 = arith.constant 0 : i32
        %dma_wait3A_1194 = tpu.memref_slice %arg4[%mul3A_953, %dma_wait3A_1193] : memref<819200x128xf32, #tpu.memory_space<hbm>> -> memref<128x128xf32, #tpu.memory_space<hbm>>
        %dma_wait3A_1195 = arith.constant 0 : i32
        %dma_wait3A_1196 = tpu.memref_slice %arg4[%mul3A_953, %dma_wait3A_1195] : memref<819200x128xf32, #tpu.memory_space<hbm>> -> memref<128x128xf32, #tpu.memory_space<hbm>>
        tpu.wait_dma2 semaphore(%arg15 : memref<!tpu.dma_semaphore, #tpu.memory_space<semaphore_mem>>) src(%arg9 : memref<128x128xf32, #tpu.memory_space<vmem>>) dst(%dma_wait3A_1196 : memref<128x128xf32, #tpu.memory_space<hbm>>)
        %mul3A_1197 = arith.constant 1 : i32
        %mul3A_1198 = arith.muli %add3A_935, %mul3A_1197 : i32
        %add3A_1199 = arith.constant 0 : i32
        %add3A_1200 = arith.addi %mul3A_1198, %add3A_1199 : i32
        %dma_start3A_1201 = arith.constant 0 : i32
        %dma_start3A_1202 = arith.constant 0 : i32
        %dma_start3A_1203 = tpu.memref_slice %arg9[%dma_start3A_1201, %dma_start3A_1202] : memref<128x128xf32, #tpu.memory_space<vmem>> -> memref<128x128xf32, #tpu.memory_space<vmem>>
        %dma_start3A_1204 = arith.constant 0 : i32
        %dma_start3A_1205 = tpu.memref_slice %arg6[%add3A_1200, %dma_start3A_1204] : memref<200x128xi32, #tpu.memory_space<vmem>> -> memref<1x128xi32, #tpu.memory_space<vmem>>
        %dma_start3A_1206 = tpu.memref_squeeze %dma_start3A_1205 : memref<1x128xi32, #tpu.memory_space<vmem>> -> memref<128xi32, #tpu.memory_space<vmem>>
        %dma_start3A_1207 = arith.constant 0 : i32
        %dma_start3A_1208 = arith.constant 0 : i32
        %dma_start3A_1209 = tpu.memref_slice %arg5[%dma_start3A_1207, %dma_start3A_1208] : memref<366x128xf32, #tpu.memory_space<vmem_shared>> -> memref<366x128xf32, #tpu.memory_space<vmem_shared>>
        tpu.enqueue_indirect_dma source(%dma_start3A_1209 : memref<366x128xf32, #tpu.memory_space<vmem_shared>>) target(%dma_start3A_1203 : memref<128x128xf32, #tpu.memory_space<vmem>>) offsets(%dma_start3A_1206 : memref<128xi32, #tpu.memory_space<vmem>>) semaphore(%arg12 : memref<!tpu.dma_semaphore, #tpu.memory_space<semaphore_mem>>)
      } else {
      }
      %ge3A_963 = arith.constant 200 : i32
      %ge3A_964 = arith.cmpi sge, %add3A_935, %ge3A_963 : i32
      %convert_element_type3A_965 = arith.extui %ge3A_964 : i1 to i32
      %cond3A_966 = arith.constant 0 : i32
      %cond3A_967 = arith.cmpi ne, %convert_element_type3A_965, %cond3A_966 : i32
      scf.if %cond3A_967 {
        %dma_wait3A_1045 = arith.constant 0 : i32
        %dma_wait3A_1046 = tpu.memref_slice %arg4[%mul3A_953, %dma_wait3A_1045] : memref<819200x128xf32, #tpu.memory_space<hbm>> -> memref<128x128xf32, #tpu.memory_space<hbm>>
        %dma_wait3A_1047 = arith.constant 0 : i32
        %dma_wait3A_1048 = tpu.memref_slice %arg4[%mul3A_953, %dma_wait3A_1047] : memref<819200x128xf32, #tpu.memory_space<hbm>> -> memref<128x128xf32, #tpu.memory_space<hbm>>
        tpu.wait_dma2 semaphore(%arg15 : memref<!tpu.dma_semaphore, #tpu.memory_space<semaphore_mem>>) src(%arg9 : memref<128x128xf32, #tpu.memory_space<vmem>>) dst(%dma_wait3A_1048 : memref<128x128xf32, #tpu.memory_space<hbm>>)
      } else {
      }
      %mul3A_968 = arith.constant 5 : i32
      %mul3A_969 = arith.muli %scan3A_855, %mul3A_968 : i32
      %add3A_970 = arith.constant 3 : i32
      %add3A_971 = arith.addi %mul3A_969, %add3A_970 : i32
      %add3A_972 = arith.constant 5 : i32
      %add3A_973 = arith.addi %add3A_971, %add3A_972 : i32
      %mul3A_974 = arith.constant 1 : i32
      %mul3A_975 = arith.muli %add3A_971, %mul3A_974 : i32
      %add3A_976 = arith.constant 0 : i32
      %add3A_977 = arith.addi %mul3A_975, %add3A_976 : i32
      %dma_wait3A_978 = arith.constant 0 : i32
      %dma_wait3A_979 = arith.constant 0 : i32
      %dma_wait3A_980 = tpu.memref_slice %arg10[%dma_wait3A_978, %dma_wait3A_979] : memref<128x128xf32, #tpu.memory_space<vmem>> -> memref<128x128xf32, #tpu.memory_space<vmem>>
      %dma_wait3A_981 = arith.constant 0 : i32
      %dma_wait3A_982 = tpu.memref_slice %arg6[%add3A_977, %dma_wait3A_981] : memref<200x128xi32, #tpu.memory_space<vmem>> -> memref<1x128xi32, #tpu.memory_space<vmem>>
      %dma_wait3A_983 = tpu.memref_squeeze %dma_wait3A_982 : memref<1x128xi32, #tpu.memory_space<vmem>> -> memref<128xi32, #tpu.memory_space<vmem>>
      %dma_wait3A_984 = arith.constant 0 : i32
      %dma_wait3A_985 = arith.constant 0 : i32
      %dma_wait3A_986 = tpu.memref_slice %arg5[%dma_wait3A_984, %dma_wait3A_985] : memref<366x128xf32, #tpu.memory_space<vmem_shared>> -> memref<366x128xf32, #tpu.memory_space<vmem_shared>>
      tpu.wait_indirect_dma semaphore(%arg12 : memref<!tpu.dma_semaphore, #tpu.memory_space<semaphore_mem>>) src(%dma_wait3A_986 : memref<366x128xf32, #tpu.memory_space<vmem_shared>>) dst(%dma_wait3A_980 : memref<128x128xf32, #tpu.memory_space<vmem>>)
      %mul3A_987 = arith.constant 1 : i32
      %mul3A_988 = arith.muli %add3A_971, %mul3A_987 : i32
      %add3A_989 = arith.addi %mul3A_2, %mul3A_988 : i32
      %mul3A_990 = arith.constant 128 : i32
      %mul3A_991 = arith.muli %add3A_989, %mul3A_990 : i32
      %dma_start3A_992 = arith.constant 0 : i32
      %dma_start3A_993 = tpu.memref_slice %arg4[%mul3A_991, %dma_start3A_992] : memref<819200x128xf32, #tpu.memory_space<hbm>> -> memref<128x128xf32, #tpu.memory_space<hbm>>
      %dma_start3A_994 = arith.constant 0 : i32
      %dma_start3A_995 = tpu.memref_slice %arg4[%mul3A_991, %dma_start3A_994] : memref<819200x128xf32, #tpu.memory_space<hbm>> -> memref<128x128xf32, #tpu.memory_space<hbm>>
      tpu.enqueue_dma source(%arg10 : memref<128x128xf32, #tpu.memory_space<vmem>>) target(%dma_start3A_995 : memref<128x128xf32, #tpu.memory_space<hbm>>) target_semaphore(%arg16 : memref<!tpu.dma_semaphore, #tpu.memory_space<semaphore_mem>>)
      %lt3A_996 = arith.constant 200 : i32
      %lt3A_997 = arith.cmpi slt, %add3A_973, %lt3A_996 : i32
      %convert_element_type3A_998 = arith.extui %lt3A_997 : i1 to i32
      %cond3A_999 = arith.constant 0 : i32
      %cond3A_1000 = arith.cmpi ne, %convert_element_type3A_998, %cond3A_999 : i32
      scf.if %cond3A_1000 {
        %mul3A_1045 = arith.constant 1 : i32
        %mul3A_1046 = arith.muli %add3A_973, %mul3A_1045 : i32
        %add3A_1047 = arith.constant 0 : i32
        %add3A_1048 = arith.addi %mul3A_1046, %add3A_1047 : i32
        %get3A_1049 = arith.index_cast %add3A_1048 : i32 to index
        %get3A_1050 = arith.constant 0 : index
        %get3A_1051 = tpu.vector_load %arg6[%get3A_1049, %get3A_1050] {strides = array<i32>} : memref<200x128xi32, #tpu.memory_space<vmem>>, vector<1x16xi32>,
        %get3A_1052 = vector.shape_cast %get3A_1051 : vector<1x16xi32> to vector<16xi32>
        %min3A_1053 = arith.constant 366 : i32
        %min3A_1054 = vector.broadcast %min3A_1053 : i32 to vector<16xi32>
        %min3A_1055 = arith.minsi %get3A_1052, %min3A_1054 : vector<16xi32>
        %max3A_1056 = arith.constant 1 : i32
        %max3A_1057 = vector.broadcast %max3A_1056 : i32 to vector<16xi32>
        %max3A_1058 = arith.maxsi %min3A_1055, %max3A_1057 : vector<16xi32>
        %sub3A_1059 = arith.constant 1 : i32
        %sub3A_1060 = vector.broadcast %sub3A_1059 : i32 to vector<16xi32>
        %sub3A_1061 = arith.subi %max3A_1058, %sub3A_1060 : vector<16xi32>
        %swap3A_1062 = arith.index_cast %add3A_1048 : i32 to index
        %swap3A_1063 = arith.constant 0 : index
        %swap3A_1064 = tpu.vector_load %arg6[%swap3A_1062, %swap3A_1063] {strides = array<i32>} : memref<200x128xi32, #tpu.memory_space<vmem>>, vector<1x16xi32>,
        %swap3A_1065 = vector.shape_cast %swap3A_1064 : vector<1x16xi32> to vector<16xi32>
        %swap3A_1066 = vector.shape_cast %sub3A_1061 : vector<16xi32> to vector<1x16xi32>
        tpu.vector_store %arg6[%swap3A_1062, %swap3A_1063], %swap3A_1066 {strides = array<i32>} : memref<200x128xi32, #tpu.memory_space<vmem>>, vector<1x16xi32>,
        %get3A_1067 = arith.index_cast %add3A_1048 : i32 to index
        %get3A_1068 = arith.constant 16 : index
        %get3A_1069 = tpu.vector_load %arg6[%get3A_1067, %get3A_1068] {strides = array<i32>} : memref<200x128xi32, #tpu.memory_space<vmem>>, vector<1x16xi32>,
        %get3A_1070 = vector.shape_cast %get3A_1069 : vector<1x16xi32> to vector<16xi32>
        %min3A_1071 = arith.constant 366 : i32
        %min3A_1072 = vector.broadcast %min3A_1071 : i32 to vector<16xi32>
        %min3A_1073 = arith.minsi %get3A_1070, %min3A_1072 : vector<16xi32>
        %max3A_1074 = arith.constant 1 : i32
        %max3A_1075 = vector.broadcast %max3A_1074 : i32 to vector<16xi32>
        %max3A_1076 = arith.maxsi %min3A_1073, %max3A_1075 : vector<16xi32>
        %sub3A_1077 = arith.constant 1 : i32
        %sub3A_1078 = vector.broadcast %sub3A_1077 : i32 to vector<16xi32>
        %sub3A_1079 = arith.subi %max3A_1076, %sub3A_1078 : vector<16xi32>
        %swap3A_1080 = arith.index_cast %add3A_1048 : i32 to index
        %swap3A_1081 = arith.constant 16 : index
        %swap3A_1082 = tpu.vector_load %arg6[%swap3A_1080, %swap3A_1081] {strides = array<i32>} : memref<200x128xi32, #tpu.memory_space<vmem>>, vector<1x16xi32>,
        %swap3A_1083 = vector.shape_cast %swap3A_1082 : vector<1x16xi32> to vector<16xi32>
        %swap3A_1084 = vector.shape_cast %sub3A_1079 : vector<16xi32> to vector<1x16xi32>
        tpu.vector_store %arg6[%swap3A_1080, %swap3A_1081], %swap3A_1084 {strides = array<i32>} : memref<200x128xi32, #tpu.memory_space<vmem>>, vector<1x16xi32>,
        %get3A_1085 = arith.index_cast %add3A_1048 : i32 to index
        %get3A_1086 = arith.constant 32 : index
        %get3A_1087 = tpu.vector_load %arg6[%get3A_1085, %get3A_1086] {strides = array<i32>} : memref<200x128xi32, #tpu.memory_space<vmem>>, vector<1x16xi32>,
        %get3A_1088 = vector.shape_cast %get3A_1087 : vector<1x16xi32> to vector<16xi32>
        %min3A_1089 = arith.constant 366 : i32
        %min3A_1090 = vector.broadcast %min3A_1089 : i32 to vector<16xi32>
        %min3A_1091 = arith.minsi %get3A_1088, %min3A_1090 : vector<16xi32>
        %max3A_1092 = arith.constant 1 : i32
        %max3A_1093 = vector.broadcast %max3A_1092 : i32 to vector<16xi32>
        %max3A_1094 = arith.maxsi %min3A_1091, %max3A_1093 : vector<16xi32>
        %sub3A_1095 = arith.constant 1 : i32
        %sub3A_1096 = vector.broadcast %sub3A_1095 : i32 to vector<16xi32>
        %sub3A_1097 = arith.subi %max3A_1094, %sub3A_1096 : vector<16xi32>
        %swap3A_1098 = arith.index_cast %add3A_1048 : i32 to index
        %swap3A_1099 = arith.constant 32 : index
        %swap3A_1100 = tpu.vector_load %arg6[%swap3A_1098, %swap3A_1099] {strides = array<i32>} : memref<200x128xi32, #tpu.memory_space<vmem>>, vector<1x16xi32>,
        %swap3A_1101 = vector.shape_cast %swap3A_1100 : vector<1x16xi32> to vector<16xi32>
        %swap3A_1102 = vector.shape_cast %sub3A_1097 : vector<16xi32> to vector<1x16xi32>
        tpu.vector_store %arg6[%swap3A_1098, %swap3A_1099], %swap3A_1102 {strides = array<i32>} : memref<200x128xi32, #tpu.memory_space<vmem>>, vector<1x16xi32>,
        %get3A_1103 = arith.index_cast %add3A_1048 : i32 to index
        %get3A_1104 = arith.constant 48 : index
        %get3A_1105 = tpu.vector_load %arg6[%get3A_1103, %get3A_1104] {strides = array<i32>} : memref<200x128xi32, #tpu.memory_space<vmem>>, vector<1x16xi32>,
        %get3A_1106 = vector.shape_cast %get3A_1105 : vector<1x16xi32> to vector<16xi32>
        %min3A_1107 = arith.constant 366 : i32
        %min3A_1108 = vector.broadcast %min3A_1107 : i32 to vector<16xi32>
        %min3A_1109 = arith.minsi %get3A_1106, %min3A_1108 : vector<16xi32>
        %max3A_1110 = arith.constant 1 : i32
        %max3A_1111 = vector.broadcast %max3A_1110 : i32 to vector<16xi32>
        %max3A_1112 = arith.maxsi %min3A_1109, %max3A_1111 : vector<16xi32>
        %sub3A_1113 = arith.constant 1 : i32
        %sub3A_1114 = vector.broadcast %sub3A_1113 : i32 to vector<16xi32>
        %sub3A_1115 = arith.subi %max3A_1112, %sub3A_1114 : vector<16xi32>
        %swap3A_1116 = arith.index_cast %add3A_1048 : i32 to index
        %swap3A_1117 = arith.constant 48 : index
        %swap3A_1118 = tpu.vector_load %arg6[%swap3A_1116, %swap3A_1117] {strides = array<i32>} : memref<200x128xi32, #tpu.memory_space<vmem>>, vector<1x16xi32>,
        %swap3A_1119 = vector.shape_cast %swap3A_1118 : vector<1x16xi32> to vector<16xi32>
        %swap3A_1120 = vector.shape_cast %sub3A_1115 : vector<16xi32> to vector<1x16xi32>
        tpu.vector_store %arg6[%swap3A_1116, %swap3A_1117], %swap3A_1120 {strides = array<i32>} : memref<200x128xi32, #tpu.memory_space<vmem>>, vector<1x16xi32>,
        %get3A_1121 = arith.index_cast %add3A_1048 : i32 to index
        %get3A_1122 = arith.constant 64 : index
        %get3A_1123 = tpu.vector_load %arg6[%get3A_1121, %get3A_1122] {strides = array<i32>} : memref<200x128xi32, #tpu.memory_space<vmem>>, vector<1x16xi32>,
        %get3A_1124 = vector.shape_cast %get3A_1123 : vector<1x16xi32> to vector<16xi32>
        %min3A_1125 = arith.constant 366 : i32
        %min3A_1126 = vector.broadcast %min3A_1125 : i32 to vector<16xi32>
        %min3A_1127 = arith.minsi %get3A_1124, %min3A_1126 : vector<16xi32>
        %max3A_1128 = arith.constant 1 : i32
        %max3A_1129 = vector.broadcast %max3A_1128 : i32 to vector<16xi32>
        %max3A_1130 = arith.maxsi %min3A_1127, %max3A_1129 : vector<16xi32>
        %sub3A_1131 = arith.constant 1 : i32
        %sub3A_1132 = vector.broadcast %sub3A_1131 : i32 to vector<16xi32>
        %sub3A_1133 = arith.subi %max3A_1130, %sub3A_1132 : vector<16xi32>
        %swap3A_1134 = arith.index_cast %add3A_1048 : i32 to index
        %swap3A_1135 = arith.constant 64 : index
        %swap3A_1136 = tpu.vector_load %arg6[%swap3A_1134, %swap3A_1135] {strides = array<i32>} : memref<200x128xi32, #tpu.memory_space<vmem>>, vector<1x16xi32>,
        %swap3A_1137 = vector.shape_cast %swap3A_1136 : vector<1x16xi32> to vector<16xi32>
        %swap3A_1138 = vector.shape_cast %sub3A_1133 : vector<16xi32> to vector<1x16xi32>
        tpu.vector_store %arg6[%swap3A_1134, %swap3A_1135], %swap3A_1138 {strides = array<i32>} : memref<200x128xi32, #tpu.memory_space<vmem>>, vector<1x16xi32>,
        %get3A_1139 = arith.index_cast %add3A_1048 : i32 to index
        %get3A_1140 = arith.constant 80 : index
        %get3A_1141 = tpu.vector_load %arg6[%get3A_1139, %get3A_1140] {strides = array<i32>} : memref<200x128xi32, #tpu.memory_space<vmem>>, vector<1x16xi32>,
        %get3A_1142 = vector.shape_cast %get3A_1141 : vector<1x16xi32> to vector<16xi32>
        %min3A_1143 = arith.constant 366 : i32
        %min3A_1144 = vector.broadcast %min3A_1143 : i32 to vector<16xi32>
        %min3A_1145 = arith.minsi %get3A_1142, %min3A_1144 : vector<16xi32>
        %max3A_1146 = arith.constant 1 : i32
        %max3A_1147 = vector.broadcast %max3A_1146 : i32 to vector<16xi32>
        %max3A_1148 = arith.maxsi %min3A_1145, %max3A_1147 : vector<16xi32>
        %sub3A_1149 = arith.constant 1 : i32
        %sub3A_1150 = vector.broadcast %sub3A_1149 : i32 to vector<16xi32>
        %sub3A_1151 = arith.subi %max3A_1148, %sub3A_1150 : vector<16xi32>
        %swap3A_1152 = arith.index_cast %add3A_1048 : i32 to index
        %swap3A_1153 = arith.constant 80 : index
        %swap3A_1154 = tpu.vector_load %arg6[%swap3A_1152, %swap3A_1153] {strides = array<i32>} : memref<200x128xi32, #tpu.memory_space<vmem>>, vector<1x16xi32>,
        %swap3A_1155 = vector.shape_cast %swap3A_1154 : vector<1x16xi32> to vector<16xi32>
        %swap3A_1156 = vector.shape_cast %sub3A_1151 : vector<16xi32> to vector<1x16xi32>
        tpu.vector_store %arg6[%swap3A_1152, %swap3A_1153], %swap3A_1156 {strides = array<i32>} : memref<200x128xi32, #tpu.memory_space<vmem>>, vector<1x16xi32>,
        %get3A_1157 = arith.index_cast %add3A_1048 : i32 to index
        %get3A_1158 = arith.constant 96 : index
        %get3A_1159 = tpu.vector_load %arg6[%get3A_1157, %get3A_1158] {strides = array<i32>} : memref<200x128xi32, #tpu.memory_space<vmem>>, vector<1x16xi32>,
        %get3A_1160 = vector.shape_cast %get3A_1159 : vector<1x16xi32> to vector<16xi32>
        %min3A_1161 = arith.constant 366 : i32
        %min3A_1162 = vector.broadcast %min3A_1161 : i32 to vector<16xi32>
        %min3A_1163 = arith.minsi %get3A_1160, %min3A_1162 : vector<16xi32>
        %max3A_1164 = arith.constant 1 : i32
        %max3A_1165 = vector.broadcast %max3A_1164 : i32 to vector<16xi32>
        %max3A_1166 = arith.maxsi %min3A_1163, %max3A_1165 : vector<16xi32>
        %sub3A_1167 = arith.constant 1 : i32
        %sub3A_1168 = vector.broadcast %sub3A_1167 : i32 to vector<16xi32>
        %sub3A_1169 = arith.subi %max3A_1166, %sub3A_1168 : vector<16xi32>
        %swap3A_1170 = arith.index_cast %add3A_1048 : i32 to index
        %swap3A_1171 = arith.constant 96 : index
        %swap3A_1172 = tpu.vector_load %arg6[%swap3A_1170, %swap3A_1171] {strides = array<i32>} : memref<200x128xi32, #tpu.memory_space<vmem>>, vector<1x16xi32>,
        %swap3A_1173 = vector.shape_cast %swap3A_1172 : vector<1x16xi32> to vector<16xi32>
        %swap3A_1174 = vector.shape_cast %sub3A_1169 : vector<16xi32> to vector<1x16xi32>
        tpu.vector_store %arg6[%swap3A_1170, %swap3A_1171], %swap3A_1174 {strides = array<i32>} : memref<200x128xi32, #tpu.memory_space<vmem>>, vector<1x16xi32>,
        %get3A_1175 = arith.index_cast %add3A_1048 : i32 to index
        %get3A_1176 = arith.constant 112 : index
        %get3A_1177 = tpu.vector_load %arg6[%get3A_1175, %get3A_1176] {strides = array<i32>} : memref<200x128xi32, #tpu.memory_space<vmem>>, vector<1x16xi32>,
        %get3A_1178 = vector.shape_cast %get3A_1177 : vector<1x16xi32> to vector<16xi32>
        %min3A_1179 = arith.constant 366 : i32
        %min3A_1180 = vector.broadcast %min3A_1179 : i32 to vector<16xi32>
        %min3A_1181 = arith.minsi %get3A_1178, %min3A_1180 : vector<16xi32>
        %max3A_1182 = arith.constant 1 : i32
        %max3A_1183 = vector.broadcast %max3A_1182 : i32 to vector<16xi32>
        %max3A_1184 = arith.maxsi %min3A_1181, %max3A_1183 : vector<16xi32>
        %sub3A_1185 = arith.constant 1 : i32
        %sub3A_1186 = vector.broadcast %sub3A_1185 : i32 to vector<16xi32>
        %sub3A_1187 = arith.subi %max3A_1184, %sub3A_1186 : vector<16xi32>
        %swap3A_1188 = arith.index_cast %add3A_1048 : i32 to index
        %swap3A_1189 = arith.constant 112 : index
        %swap3A_1190 = tpu.vector_load %arg6[%swap3A_1188, %swap3A_1189] {strides = array<i32>} : memref<200x128xi32, #tpu.memory_space<vmem>>, vector<1x16xi32>,
        %swap3A_1191 = vector.shape_cast %swap3A_1190 : vector<1x16xi32> to vector<16xi32>
        %swap3A_1192 = vector.shape_cast %sub3A_1187 : vector<16xi32> to vector<1x16xi32>
        tpu.vector_store %arg6[%swap3A_1188, %swap3A_1189], %swap3A_1192 {strides = array<i32>} : memref<200x128xi32, #tpu.memory_space<vmem>>, vector<1x16xi32>,
        %dma_wait3A_1193 = arith.constant 0 : i32
        %dma_wait3A_1194 = tpu.memref_slice %arg4[%mul3A_991, %dma_wait3A_1193] : memref<819200x128xf32, #tpu.memory_space<hbm>> -> memref<128x128xf32, #tpu.memory_space<hbm>>
        %dma_wait3A_1195 = arith.constant 0 : i32
        %dma_wait3A_1196 = tpu.memref_slice %arg4[%mul3A_991, %dma_wait3A_1195] : memref<819200x128xf32, #tpu.memory_space<hbm>> -> memref<128x128xf32, #tpu.memory_space<hbm>>
        tpu.wait_dma2 semaphore(%arg16 : memref<!tpu.dma_semaphore, #tpu.memory_space<semaphore_mem>>) src(%arg10 : memref<128x128xf32, #tpu.memory_space<vmem>>) dst(%dma_wait3A_1196 : memref<128x128xf32, #tpu.memory_space<hbm>>)
        %mul3A_1197 = arith.constant 1 : i32
        %mul3A_1198 = arith.muli %add3A_973, %mul3A_1197 : i32
        %add3A_1199 = arith.constant 0 : i32
        %add3A_1200 = arith.addi %mul3A_1198, %add3A_1199 : i32
        %dma_start3A_1201 = arith.constant 0 : i32
        %dma_start3A_1202 = arith.constant 0 : i32
        %dma_start3A_1203 = tpu.memref_slice %arg10[%dma_start3A_1201, %dma_start3A_1202] : memref<128x128xf32, #tpu.memory_space<vmem>> -> memref<128x128xf32, #tpu.memory_space<vmem>>
        %dma_start3A_1204 = arith.constant 0 : i32
        %dma_start3A_1205 = tpu.memref_slice %arg6[%add3A_1200, %dma_start3A_1204] : memref<200x128xi32, #tpu.memory_space<vmem>> -> memref<1x128xi32, #tpu.memory_space<vmem>>
        %dma_start3A_1206 = tpu.memref_squeeze %dma_start3A_1205 : memref<1x128xi32, #tpu.memory_space<vmem>> -> memref<128xi32, #tpu.memory_space<vmem>>
        %dma_start3A_1207 = arith.constant 0 : i32
        %dma_start3A_1208 = arith.constant 0 : i32
        %dma_start3A_1209 = tpu.memref_slice %arg5[%dma_start3A_1207, %dma_start3A_1208] : memref<366x128xf32, #tpu.memory_space<vmem_shared>> -> memref<366x128xf32, #tpu.memory_space<vmem_shared>>
        tpu.enqueue_indirect_dma source(%dma_start3A_1209 : memref<366x128xf32, #tpu.memory_space<vmem_shared>>) target(%dma_start3A_1203 : memref<128x128xf32, #tpu.memory_space<vmem>>) offsets(%dma_start3A_1206 : memref<128xi32, #tpu.memory_space<vmem>>) semaphore(%arg12 : memref<!tpu.dma_semaphore, #tpu.memory_space<semaphore_mem>>)
      } else {
      }
      %ge3A_1001 = arith.constant 200 : i32
      %ge3A_1002 = arith.cmpi sge, %add3A_973, %ge3A_1001 : i32
      %convert_element_type3A_1003 = arith.extui %ge3A_1002 : i1 to i32
      %cond3A_1004 = arith.constant 0 : i32
      %cond3A_1005 = arith.cmpi ne, %convert_element_type3A_1003, %cond3A_1004 : i32
      scf.if %cond3A_1005 {
        %dma_wait3A_1045 = arith.constant 0 : i32
        %dma_wait3A_1046 = tpu.memref_slice %arg4[%mul3A_991, %dma_wait3A_1045] : memref<819200x128xf32, #tpu.memory_space<hbm>> -> memref<128x128xf32, #tpu.memory_space<hbm>>
        %dma_wait3A_1047 = arith.constant 0 : i32
        %dma_wait3A_1048 = tpu.memref_slice %arg4[%mul3A_991, %dma_wait3A_1047] : memref<819200x128xf32, #tpu.memory_space<hbm>> -> memref<128x128xf32, #tpu.memory_space<hbm>>
        tpu.wait_dma2 semaphore(%arg16 : memref<!tpu.dma_semaphore, #tpu.memory_space<semaphore_mem>>) src(%arg10 : memref<128x128xf32, #tpu.memory_space<vmem>>) dst(%dma_wait3A_1048 : memref<128x128xf32, #tpu.memory_space<hbm>>)
      } else {
      }
      %mul3A_1006 = arith.constant 5 : i32
      %mul3A_1007 = arith.muli %scan3A_855, %mul3A_1006 : i32
      %add3A_1008 = arith.constant 4 : i32
      %add3A_1009 = arith.addi %mul3A_1007, %add3A_1008 : i32
      %add3A_1010 = arith.constant 5 : i32
      %add3A_1011 = arith.addi %add3A_1009, %add3A_1010 : i32
      %mul3A_1012 = arith.constant 1 : i32
      %mul3A_1013 = arith.muli %add3A_1009, %mul3A_1012 : i32
      %add3A_1014 = arith.constant 0 : i32
      %add3A_1015 = arith.addi %mul3A_1013, %add3A_1014 : i32
      %dma_wait3A_1016 = arith.constant 0 : i32
      %dma_wait3A_1017 = arith.constant 0 : i32
      %dma_wait3A_1018 = tpu.memref_slice %arg11[%dma_wait3A_1016, %dma_wait3A_1017] : memref<128x128xf32, #tpu.memory_space<vmem>> -> memref<128x128xf32, #tpu.memory_space<vmem>>
      %dma_wait3A_1019 = arith.constant 0 : i32
      %dma_wait3A_1020 = tpu.memref_slice %arg6[%add3A_1015, %dma_wait3A_1019] : memref<200x128xi32, #tpu.memory_space<vmem>> -> memref<1x128xi32, #tpu.memory_space<vmem>>
      %dma_wait3A_1021 = tpu.memref_squeeze %dma_wait3A_1020 : memref<1x128xi32, #tpu.memory_space<vmem>> -> memref<128xi32, #tpu.memory_space<vmem>>
      %dma_wait3A_1022 = arith.constant 0 : i32
      %dma_wait3A_1023 = arith.constant 0 : i32
      %dma_wait3A_1024 = tpu.memref_slice %arg5[%dma_wait3A_1022, %dma_wait3A_1023] : memref<366x128xf32, #tpu.memory_space<vmem_shared>> -> memref<366x128xf32, #tpu.memory_space<vmem_shared>>
      tpu.wait_indirect_dma semaphore(%arg12 : memref<!tpu.dma_semaphore, #tpu.memory_space<semaphore_mem>>) src(%dma_wait3A_1024 : memref<366x128xf32, #tpu.memory_space<vmem_shared>>) dst(%dma_wait3A_1018 : memref<128x128xf32, #tpu.memory_space<vmem>>)
      %mul3A_1025 = arith.constant 1 : i32
      %mul3A_1026 = arith.muli %add3A_1009, %mul3A_1025 : i32
      %add3A_1027 = arith.addi %mul3A_2, %mul3A_1026 : i32
      %mul3A_1028 = arith.constant 128 : i32
      %mul3A_1029 = arith.muli %add3A_1027, %mul3A_1028 : i32
      %dma_start3A_1030 = arith.constant 0 : i32
      %dma_start3A_1031 = tpu.memref_slice %arg4[%mul3A_1029, %dma_start3A_1030] : memref<819200x128xf32, #tpu.memory_space<hbm>> -> memref<128x128xf32, #tpu.memory_space<hbm>>
      %dma_start3A_1032 = arith.constant 0 : i32
      %dma_start3A_1033 = tpu.memref_slice %arg4[%mul3A_1029, %dma_start3A_1032] : memref<819200x128xf32, #tpu.memory_space<hbm>> -> memref<128x128xf32, #tpu.memory_space<hbm>>
      tpu.enqueue_dma source(%arg11 : memref<128x128xf32, #tpu.memory_space<vmem>>) target(%dma_start3A_1033 : memref<128x128xf32, #tpu.memory_space<hbm>>) target_semaphore(%arg17 : memref<!tpu.dma_semaphore, #tpu.memory_space<semaphore_mem>>)
      %lt3A_1034 = arith.constant 200 : i32
      %lt3A_1035 = arith.cmpi slt, %add3A_1011, %lt3A_1034 : i32
      %convert_element_type3A_1036 = arith.extui %lt3A_1035 : i1 to i32
      %cond3A_1037 = arith.constant 0 : i32
      %cond3A_1038 = arith.cmpi ne, %convert_element_type3A_1036, %cond3A_1037 : i32
      scf.if %cond3A_1038 {
        %mul3A_1045 = arith.constant 1 : i32
        %mul3A_1046 = arith.muli %add3A_1011, %mul3A_1045 : i32
        %add3A_1047 = arith.constant 0 : i32
        %add3A_1048 = arith.addi %mul3A_1046, %add3A_1047 : i32
        %get3A_1049 = arith.index_cast %add3A_1048 : i32 to index
        %get3A_1050 = arith.constant 0 : index
        %get3A_1051 = tpu.vector_load %arg6[%get3A_1049, %get3A_1050] {strides = array<i32>} : memref<200x128xi32, #tpu.memory_space<vmem>>, vector<1x16xi32>,
        %get3A_1052 = vector.shape_cast %get3A_1051 : vector<1x16xi32> to vector<16xi32>
        %min3A_1053 = arith.constant 366 : i32
        %min3A_1054 = vector.broadcast %min3A_1053 : i32 to vector<16xi32>
        %min3A_1055 = arith.minsi %get3A_1052, %min3A_1054 : vector<16xi32>
        %max3A_1056 = arith.constant 1 : i32
        %max3A_1057 = vector.broadcast %max3A_1056 : i32 to vector<16xi32>
        %max3A_1058 = arith.maxsi %min3A_1055, %max3A_1057 : vector<16xi32>
        %sub3A_1059 = arith.constant 1 : i32
        %sub3A_1060 = vector.broadcast %sub3A_1059 : i32 to vector<16xi32>
        %sub3A_1061 = arith.subi %max3A_1058, %sub3A_1060 : vector<16xi32>
        %swap3A_1062 = arith.index_cast %add3A_1048 : i32 to index
        %swap3A_1063 = arith.constant 0 : index
        %swap3A_1064 = tpu.vector_load %arg6[%swap3A_1062, %swap3A_1063] {strides = array<i32>} : memref<200x128xi32, #tpu.memory_space<vmem>>, vector<1x16xi32>,
        %swap3A_1065 = vector.shape_cast %swap3A_1064 : vector<1x16xi32> to vector<16xi32>
        %swap3A_1066 = vector.shape_cast %sub3A_1061 : vector<16xi32> to vector<1x16xi32>
        tpu.vector_store %arg6[%swap3A_1062, %swap3A_1063], %swap3A_1066 {strides = array<i32>} : memref<200x128xi32, #tpu.memory_space<vmem>>, vector<1x16xi32>,
        %get3A_1067 = arith.index_cast %add3A_1048 : i32 to index
        %get3A_1068 = arith.constant 16 : index
        %get3A_1069 = tpu.vector_load %arg6[%get3A_1067, %get3A_1068] {strides = array<i32>} : memref<200x128xi32, #tpu.memory_space<vmem>>, vector<1x16xi32>,
        %get3A_1070 = vector.shape_cast %get3A_1069 : vector<1x16xi32> to vector<16xi32>
        %min3A_1071 = arith.constant 366 : i32
        %min3A_1072 = vector.broadcast %min3A_1071 : i32 to vector<16xi32>
        %min3A_1073 = arith.minsi %get3A_1070, %min3A_1072 : vector<16xi32>
        %max3A_1074 = arith.constant 1 : i32
        %max3A_1075 = vector.broadcast %max3A_1074 : i32 to vector<16xi32>
        %max3A_1076 = arith.maxsi %min3A_1073, %max3A_1075 : vector<16xi32>
        %sub3A_1077 = arith.constant 1 : i32
        %sub3A_1078 = vector.broadcast %sub3A_1077 : i32 to vector<16xi32>
        %sub3A_1079 = arith.subi %max3A_1076, %sub3A_1078 : vector<16xi32>
        %swap3A_1080 = arith.index_cast %add3A_1048 : i32 to index
        %swap3A_1081 = arith.constant 16 : index
        %swap3A_1082 = tpu.vector_load %arg6[%swap3A_1080, %swap3A_1081] {strides = array<i32>} : memref<200x128xi32, #tpu.memory_space<vmem>>, vector<1x16xi32>,
        %swap3A_1083 = vector.shape_cast %swap3A_1082 : vector<1x16xi32> to vector<16xi32>
        %swap3A_1084 = vector.shape_cast %sub3A_1079 : vector<16xi32> to vector<1x16xi32>
        tpu.vector_store %arg6[%swap3A_1080, %swap3A_1081], %swap3A_1084 {strides = array<i32>} : memref<200x128xi32, #tpu.memory_space<vmem>>, vector<1x16xi32>,
        %get3A_1085 = arith.index_cast %add3A_1048 : i32 to index
        %get3A_1086 = arith.constant 32 : index
        %get3A_1087 = tpu.vector_load %arg6[%get3A_1085, %get3A_1086] {strides = array<i32>} : memref<200x128xi32, #tpu.memory_space<vmem>>, vector<1x16xi32>,
        %get3A_1088 = vector.shape_cast %get3A_1087 : vector<1x16xi32> to vector<16xi32>
        %min3A_1089 = arith.constant 366 : i32
        %min3A_1090 = vector.broadcast %min3A_1089 : i32 to vector<16xi32>
        %min3A_1091 = arith.minsi %get3A_1088, %min3A_1090 : vector<16xi32>
        %max3A_1092 = arith.constant 1 : i32
        %max3A_1093 = vector.broadcast %max3A_1092 : i32 to vector<16xi32>
        %max3A_1094 = arith.maxsi %min3A_1091, %max3A_1093 : vector<16xi32>
        %sub3A_1095 = arith.constant 1 : i32
        %sub3A_1096 = vector.broadcast %sub3A_1095 : i32 to vector<16xi32>
        %sub3A_1097 = arith.subi %max3A_1094, %sub3A_1096 : vector<16xi32>
        %swap3A_1098 = arith.index_cast %add3A_1048 : i32 to index
        %swap3A_1099 = arith.constant 32 : index
        %swap3A_1100 = tpu.vector_load %arg6[%swap3A_1098, %swap3A_1099] {strides = array<i32>} : memref<200x128xi32, #tpu.memory_space<vmem>>, vector<1x16xi32>,
        %swap3A_1101 = vector.shape_cast %swap3A_1100 : vector<1x16xi32> to vector<16xi32>
        %swap3A_1102 = vector.shape_cast %sub3A_1097 : vector<16xi32> to vector<1x16xi32>
        tpu.vector_store %arg6[%swap3A_1098, %swap3A_1099], %swap3A_1102 {strides = array<i32>} : memref<200x128xi32, #tpu.memory_space<vmem>>, vector<1x16xi32>,
        %get3A_1103 = arith.index_cast %add3A_1048 : i32 to index
        %get3A_1104 = arith.constant 48 : index
        %get3A_1105 = tpu.vector_load %arg6[%get3A_1103, %get3A_1104] {strides = array<i32>} : memref<200x128xi32, #tpu.memory_space<vmem>>, vector<1x16xi32>,
        %get3A_1106 = vector.shape_cast %get3A_1105 : vector<1x16xi32> to vector<16xi32>
        %min3A_1107 = arith.constant 366 : i32
        %min3A_1108 = vector.broadcast %min3A_1107 : i32 to vector<16xi32>
        %min3A_1109 = arith.minsi %get3A_1106, %min3A_1108 : vector<16xi32>
        %max3A_1110 = arith.constant 1 : i32
        %max3A_1111 = vector.broadcast %max3A_1110 : i32 to vector<16xi32>
        %max3A_1112 = arith.maxsi %min3A_1109, %max3A_1111 : vector<16xi32>
        %sub3A_1113 = arith.constant 1 : i32
        %sub3A_1114 = vector.broadcast %sub3A_1113 : i32 to vector<16xi32>
        %sub3A_1115 = arith.subi %max3A_1112, %sub3A_1114 : vector<16xi32>
        %swap3A_1116 = arith.index_cast %add3A_1048 : i32 to index
        %swap3A_1117 = arith.constant 48 : index
        %swap3A_1118 = tpu.vector_load %arg6[%swap3A_1116, %swap3A_1117] {strides = array<i32>} : memref<200x128xi32, #tpu.memory_space<vmem>>, vector<1x16xi32>,
        %swap3A_1119 = vector.shape_cast %swap3A_1118 : vector<1x16xi32> to vector<16xi32>
        %swap3A_1120 = vector.shape_cast %sub3A_1115 : vector<16xi32> to vector<1x16xi32>
        tpu.vector_store %arg6[%swap3A_1116, %swap3A_1117], %swap3A_1120 {strides = array<i32>} : memref<200x128xi32, #tpu.memory_space<vmem>>, vector<1x16xi32>,
        %get3A_1121 = arith.index_cast %add3A_1048 : i32 to index
        %get3A_1122 = arith.constant 64 : index
        %get3A_1123 = tpu.vector_load %arg6[%get3A_1121, %get3A_1122] {strides = array<i32>} : memref<200x128xi32, #tpu.memory_space<vmem>>, vector<1x16xi32>,
        %get3A_1124 = vector.shape_cast %get3A_1123 : vector<1x16xi32> to vector<16xi32>
        %min3A_1125 = arith.constant 366 : i32
        %min3A_1126 = vector.broadcast %min3A_1125 : i32 to vector<16xi32>
        %min3A_1127 = arith.minsi %get3A_1124, %min3A_1126 : vector<16xi32>
        %max3A_1128 = arith.constant 1 : i32
        %max3A_1129 = vector.broadcast %max3A_1128 : i32 to vector<16xi32>
        %max3A_1130 = arith.maxsi %min3A_1127, %max3A_1129 : vector<16xi32>
        %sub3A_1131 = arith.constant 1 : i32
        %sub3A_1132 = vector.broadcast %sub3A_1131 : i32 to vector<16xi32>
        %sub3A_1133 = arith.subi %max3A_1130, %sub3A_1132 : vector<16xi32>
        %swap3A_1134 = arith.index_cast %add3A_1048 : i32 to index
        %swap3A_1135 = arith.constant 64 : index
        %swap3A_1136 = tpu.vector_load %arg6[%swap3A_1134, %swap3A_1135] {strides = array<i32>} : memref<200x128xi32, #tpu.memory_space<vmem>>, vector<1x16xi32>,
        %swap3A_1137 = vector.shape_cast %swap3A_1136 : vector<1x16xi32> to vector<16xi32>
        %swap3A_1138 = vector.shape_cast %sub3A_1133 : vector<16xi32> to vector<1x16xi32>
        tpu.vector_store %arg6[%swap3A_1134, %swap3A_1135], %swap3A_1138 {strides = array<i32>} : memref<200x128xi32, #tpu.memory_space<vmem>>, vector<1x16xi32>,
        %get3A_1139 = arith.index_cast %add3A_1048 : i32 to index
        %get3A_1140 = arith.constant 80 : index
        %get3A_1141 = tpu.vector_load %arg6[%get3A_1139, %get3A_1140] {strides = array<i32>} : memref<200x128xi32, #tpu.memory_space<vmem>>, vector<1x16xi32>,
        %get3A_1142 = vector.shape_cast %get3A_1141 : vector<1x16xi32> to vector<16xi32>
        %min3A_1143 = arith.constant 366 : i32
        %min3A_1144 = vector.broadcast %min3A_1143 : i32 to vector<16xi32>
        %min3A_1145 = arith.minsi %get3A_1142, %min3A_1144 : vector<16xi32>
        %max3A_1146 = arith.constant 1 : i32
        %max3A_1147 = vector.broadcast %max3A_1146 : i32 to vector<16xi32>
        %max3A_1148 = arith.maxsi %min3A_1145, %max3A_1147 : vector<16xi32>
        %sub3A_1149 = arith.constant 1 : i32
        %sub3A_1150 = vector.broadcast %sub3A_1149 : i32 to vector<16xi32>
        %sub3A_1151 = arith.subi %max3A_1148, %sub3A_1150 : vector<16xi32>
        %swap3A_1152 = arith.index_cast %add3A_1048 : i32 to index
        %swap3A_1153 = arith.constant 80 : index
        %swap3A_1154 = tpu.vector_load %arg6[%swap3A_1152, %swap3A_1153] {strides = array<i32>} : memref<200x128xi32, #tpu.memory_space<vmem>>, vector<1x16xi32>,
        %swap3A_1155 = vector.shape_cast %swap3A_1154 : vector<1x16xi32> to vector<16xi32>
        %swap3A_1156 = vector.shape_cast %sub3A_1151 : vector<16xi32> to vector<1x16xi32>
        tpu.vector_store %arg6[%swap3A_1152, %swap3A_1153], %swap3A_1156 {strides = array<i32>} : memref<200x128xi32, #tpu.memory_space<vmem>>, vector<1x16xi32>,
        %get3A_1157 = arith.index_cast %add3A_1048 : i32 to index
        %get3A_1158 = arith.constant 96 : index
        %get3A_1159 = tpu.vector_load %arg6[%get3A_1157, %get3A_1158] {strides = array<i32>} : memref<200x128xi32, #tpu.memory_space<vmem>>, vector<1x16xi32>,
        %get3A_1160 = vector.shape_cast %get3A_1159 : vector<1x16xi32> to vector<16xi32>
        %min3A_1161 = arith.constant 366 : i32
        %min3A_1162 = vector.broadcast %min3A_1161 : i32 to vector<16xi32>
        %min3A_1163 = arith.minsi %get3A_1160, %min3A_1162 : vector<16xi32>
        %max3A_1164 = arith.constant 1 : i32
        %max3A_1165 = vector.broadcast %max3A_1164 : i32 to vector<16xi32>
        %max3A_1166 = arith.maxsi %min3A_1163, %max3A_1165 : vector<16xi32>
        %sub3A_1167 = arith.constant 1 : i32
        %sub3A_1168 = vector.broadcast %sub3A_1167 : i32 to vector<16xi32>
        %sub3A_1169 = arith.subi %max3A_1166, %sub3A_1168 : vector<16xi32>
        %swap3A_1170 = arith.index_cast %add3A_1048 : i32 to index
        %swap3A_1171 = arith.constant 96 : index
        %swap3A_1172 = tpu.vector_load %arg6[%swap3A_1170, %swap3A_1171] {strides = array<i32>} : memref<200x128xi32, #tpu.memory_space<vmem>>, vector<1x16xi32>,
        %swap3A_1173 = vector.shape_cast %swap3A_1172 : vector<1x16xi32> to vector<16xi32>
        %swap3A_1174 = vector.shape_cast %sub3A_1169 : vector<16xi32> to vector<1x16xi32>
        tpu.vector_store %arg6[%swap3A_1170, %swap3A_1171], %swap3A_1174 {strides = array<i32>} : memref<200x128xi32, #tpu.memory_space<vmem>>, vector<1x16xi32>,
        %get3A_1175 = arith.index_cast %add3A_1048 : i32 to index
        %get3A_1176 = arith.constant 112 : index
        %get3A_1177 = tpu.vector_load %arg6[%get3A_1175, %get3A_1176] {strides = array<i32>} : memref<200x128xi32, #tpu.memory_space<vmem>>, vector<1x16xi32>,
        %get3A_1178 = vector.shape_cast %get3A_1177 : vector<1x16xi32> to vector<16xi32>
        %min3A_1179 = arith.constant 366 : i32
        %min3A_1180 = vector.broadcast %min3A_1179 : i32 to vector<16xi32>
        %min3A_1181 = arith.minsi %get3A_1178, %min3A_1180 : vector<16xi32>
        %max3A_1182 = arith.constant 1 : i32
        %max3A_1183 = vector.broadcast %max3A_1182 : i32 to vector<16xi32>
        %max3A_1184 = arith.maxsi %min3A_1181, %max3A_1183 : vector<16xi32>
        %sub3A_1185 = arith.constant 1 : i32
        %sub3A_1186 = vector.broadcast %sub3A_1185 : i32 to vector<16xi32>
        %sub3A_1187 = arith.subi %max3A_1184, %sub3A_1186 : vector<16xi32>
        %swap3A_1188 = arith.index_cast %add3A_1048 : i32 to index
        %swap3A_1189 = arith.constant 112 : index
        %swap3A_1190 = tpu.vector_load %arg6[%swap3A_1188, %swap3A_1189] {strides = array<i32>} : memref<200x128xi32, #tpu.memory_space<vmem>>, vector<1x16xi32>,
        %swap3A_1191 = vector.shape_cast %swap3A_1190 : vector<1x16xi32> to vector<16xi32>
        %swap3A_1192 = vector.shape_cast %sub3A_1187 : vector<16xi32> to vector<1x16xi32>
        tpu.vector_store %arg6[%swap3A_1188, %swap3A_1189], %swap3A_1192 {strides = array<i32>} : memref<200x128xi32, #tpu.memory_space<vmem>>, vector<1x16xi32>,
        %dma_wait3A_1193 = arith.constant 0 : i32
        %dma_wait3A_1194 = tpu.memref_slice %arg4[%mul3A_1029, %dma_wait3A_1193] : memref<819200x128xf32, #tpu.memory_space<hbm>> -> memref<128x128xf32, #tpu.memory_space<hbm>>
        %dma_wait3A_1195 = arith.constant 0 : i32
        %dma_wait3A_1196 = tpu.memref_slice %arg4[%mul3A_1029, %dma_wait3A_1195] : memref<819200x128xf32, #tpu.memory_space<hbm>> -> memref<128x128xf32, #tpu.memory_space<hbm>>
        tpu.wait_dma2 semaphore(%arg17 : memref<!tpu.dma_semaphore, #tpu.memory_space<semaphore_mem>>) src(%arg11 : memref<128x128xf32, #tpu.memory_space<vmem>>) dst(%dma_wait3A_1196 : memref<128x128xf32, #tpu.memory_space<hbm>>)
        %mul3A_1197 = arith.constant 1 : i32
        %mul3A_1198 = arith.muli %add3A_1011, %mul3A_1197 : i32
        %add3A_1199 = arith.constant 0 : i32
        %add3A_1200 = arith.addi %mul3A_1198, %add3A_1199 : i32
        %dma_start3A_1201 = arith.constant 0 : i32
        %dma_start3A_1202 = arith.constant 0 : i32
        %dma_start3A_1203 = tpu.memref_slice %arg11[%dma_start3A_1201, %dma_start3A_1202] : memref<128x128xf32, #tpu.memory_space<vmem>> -> memref<128x128xf32, #tpu.memory_space<vmem>>
        %dma_start3A_1204 = arith.constant 0 : i32
        %dma_start3A_1205 = tpu.memref_slice %arg6[%add3A_1200, %dma_start3A_1204] : memref<200x128xi32, #tpu.memory_space<vmem>> -> memref<1x128xi32, #tpu.memory_space<vmem>>
        %dma_start3A_1206 = tpu.memref_squeeze %dma_start3A_1205 : memref<1x128xi32, #tpu.memory_space<vmem>> -> memref<128xi32, #tpu.memory_space<vmem>>
        %dma_start3A_1207 = arith.constant 0 : i32
        %dma_start3A_1208 = arith.constant 0 : i32
        %dma_start3A_1209 = tpu.memref_slice %arg5[%dma_start3A_1207, %dma_start3A_1208] : memref<366x128xf32, #tpu.memory_space<vmem_shared>> -> memref<366x128xf32, #tpu.memory_space<vmem_shared>>
        tpu.enqueue_indirect_dma source(%dma_start3A_1209 : memref<366x128xf32, #tpu.memory_space<vmem_shared>>) target(%dma_start3A_1203 : memref<128x128xf32, #tpu.memory_space<vmem>>) offsets(%dma_start3A_1206 : memref<128xi32, #tpu.memory_space<vmem>>) semaphore(%arg12 : memref<!tpu.dma_semaphore, #tpu.memory_space<semaphore_mem>>)
      } else {
      }
      %ge3A_1039 = arith.constant 200 : i32
      %ge3A_1040 = arith.cmpi sge, %add3A_1011, %ge3A_1039 : i32
      %convert_element_type3A_1041 = arith.extui %ge3A_1040 : i1 to i32
      %cond3A_1042 = arith.constant 0 : i32
      %cond3A_1043 = arith.cmpi ne, %convert_element_type3A_1041, %cond3A_1042 : i32
      scf.if %cond3A_1043 {
        %dma_wait3A_1045 = arith.constant 0 : i32
        %dma_wait3A_1046 = tpu.memref_slice %arg4[%mul3A_1029, %dma_wait3A_1045] : memref<819200x128xf32, #tpu.memory_space<hbm>> -> memref<128x128xf32, #tpu.memory_space<hbm>>
        %dma_wait3A_1047 = arith.constant 0 : i32
        %dma_wait3A_1048 = tpu.memref_slice %arg4[%mul3A_1029, %dma_wait3A_1047] : memref<819200x128xf32, #tpu.memory_space<hbm>> -> memref<128x128xf32, #tpu.memory_space<hbm>>
        tpu.wait_dma2 semaphore(%arg17 : memref<!tpu.dma_semaphore, #tpu.memory_space<semaphore_mem>>) src(%arg11 : memref<128x128xf32, #tpu.memory_space<vmem>>) dst(%dma_wait3A_1048 : memref<128x128xf32, #tpu.memory_space<hbm>>)
      } else {
      }
      %scan3A_1044 = arith.constant 0 : i32
      scf.yield %scan3A_1044 : i32
    }
    %scan3A_854 = arith.constant 40 : i32
    return
  }
}

</mosaic_0001>

<sc_bundles>
// kernel: kernel.3.cloned.1.call-start
scs
__scs_entry_jumppad:
0x0: {  	(pc) =	sbr.rel $0x88, $3  }
0x1: {  	(tag) =	ssettag $0x0;
	lr =	simm.s32 $0x1  }
0x2: {  	[smem:$0x3F9F] =	sst lr;
	_ =	strace $0xD0000000  }
0x3: {  	_ = 	snop  }
0x4: {  	_ = 	snop  }
0x5: {  	_ = 	snop  }
0x6: {  	_ = 	snop  }
0x7: {  	_ = 	snop  }
__scs_overlays_trampoline_lowered:
0x8: {  	[smem:$0x3FAE] =	sst s0  }
0x9: {  	[smem:$0x3FAF] =	sst s1  }
0xa: {  	[smem:$0x3FB0] =	sst s2  }
0xb: {  	[smem:$0x3FB1] =	sst s3  }
0xc: {  	[smem:$0x3FB2] =	sst s4  }
0xd: {  	[smem:$0x3FB3] =	sst s5  }
0xe: {  	[smem:$0x3FB4] =	sst s6  }
0xf: {  	[smem:$0x3FB5] =	sst s7  }
0x10: {  	[smem:$0x3FB6] =	sst s8  }
0x11: {  	[smem:$0x3FB7] =	sst s9;
	s0 =	simm.s32 @!p0 $0x0  }
0x12: {  	s1 =	sld [smem:$0x3F9D];
	s0 =	simm.s32 @p0 $0x1  }
0x13: {  	[smem:$0x3FB8] =	sst s0;
	s0 =	simm.s32 @!p1 $0x0  }
0x14: {  	s2 =	sld [smem:$0x3F9C];
	s0 =	simm.s32 @p1 $0x1  }
0x15: {  	[smem:$0x3FB9] =	sst s0;
	s0 =	simm.s32 @!p2 $0x0  }
0x16: {  	s3 =	sld [smem:$0x3FDB];
	s0 =	simm.s32 @p2 $0x1  }
0x17: {  	s4 =	simm.s32 $0x1BF5;
	[smem:$0x3FBB] =	sst s0  }
0x18: {  	s0 =	sld [smem:$0x3F9E];
	_ =	swait.ge [sflag:s4], $0x0  }
0x19: {  	s7 =	sld [smem:$0x3F9F]  }
0x1a: {  	s8 =	sadd.s32 $0xFFFFE003, lr  }
0x1b: {  	s9 =	sadd.s32 $0xFFFFFEF7, lr;
	s5 =	simm.s32 $0xFFFFFFFF;
	p2 =	slt.u32 s8, $0xFFFFF086  }
0x1c: {  	p1 =	slt.u32 s9, $0xF7A;
	s5 =	simm.s32 @!p2 $0x0  }
0x1d: {  	s5 =	simm.s32 @p1 $0x1;
	p0 =	seq.s32 s7, s2  }
0x1e: {  	s7 =	smul.u32 @!p0 $0xF7A, s2;
	p2 =	seq.s32 @!p0 s5, $0x0  }
0x1f: {  	s9 =	smul.u32 $0xF7A, s1;
	s8 =	simm.s32 @!p0 $0x1BF5;
	p2 =	por !p2, p0  }
0x20: {  	[sflag:s8] =	ssyncset.s32 @!p0 $0xFFFFF086;
	s6 =	sadd.s32 @!p0 s3, s7;
	s7 =	simm.s32 @!p0 $0x108  }
0x21: {  	s3 =	sadd.s32 s3, s9;
	s6 =	sadd.s32 @!p0 $0x88, s6;
	s7 =	simm.s32 @p2 $0x1082  }
0x22: {  	[simem:s7], [sflag:s8] =	dma.local @!p0 [hbm:s6], $0xF7A  }
0x23: {  	s9 =	sor.u32 $0xD0000000, s2;
	s6 =	simm.s32 $0x108;
	_ =	swait.ge @!p0 [sflag:s8], $0x0  }
0x24: {  	s3 =	sadd.s32 $0x88, s3;
	s6 =	simm.s32 @!p1 $0x1082;
	[sflag:s4] =	ssyncset.s32 $0xFFFFF086  }
0x25: {  	[simem:s6], [sflag:s4] =	dma.local [hbm:s3], $0xF7A  }
0x26: {  	[smem:$0x3F9F] =	sst s1;
	(tag) =	ssettag s2;
	_ =	strace s9  }
0x27: {  	s1 =	sld [smem:$0x3FAF]  }
0x28: {  	s2 =	sld [smem:$0x3FB0]  }
0x29: {  	s4 =	sld [smem:$0x3FB2]  }
0x2a: {  	p0 =	seq.s32 s5, $0x0;
	s5 =	sld [smem:$0x3FB3]  }
0x2b: {  	s6 =	sld [smem:$0x3FB4]  }
0x2c: {  	s7 =	sld [smem:$0x3FB5]  }
0x2d: {  	s3 =	simm.s32 $0x108;
	s8 =	sld [smem:$0x3FB6]  }
0x2e: {  	s3 =	simm.s32 @!p0 $0x1082;
	s9 =	sld [smem:$0x3FB7]  }
0x2f: {  	lr =	sadd.s32 s0, s3;
	s0 =	sld [smem:$0x3FAE]  }
0x30: {  	s3 =	sld [smem:$0x3FB1]  }
0x31: {  	[smem:$0x3FBA] =	sst s10  }
0x32: {  	s10 =	sld [smem:$0x3FB8];
	_ =	sdelay $0x3  }
0x33: {  	p0 =	seq.s32 s10, $0x1;
	s10 =	sld [smem:$0x3FBA];
	_ =	sdelay $0x3  }
0x34: {  	[smem:$0x3FBA] =	sst s10  }
0x35: {  	s10 =	sld [smem:$0x3FB9];
	_ =	sdelay $0x3  }
0x36: {  	p1 =	seq.s32 s10, $0x1;
	s10 =	sld [smem:$0x3FBA];
	_ =	sdelay $0x3  }
0x37: {  	[smem:$0x3FBA] =	sst s10  }
0x38: {  	s10 =	sld [smem:$0x3FBB]  }
0x39: {  	_ = 	snop;
	(pc) =	sbr.ind lr, $3  }
0x3a: {  	_ = 	snop  }
0x3b: {  	_ = 	snop  }
0x3c: {  	p2 =	seq.s32 s10, $0x1;
	s10 =	sld [smem:$0x3FBA]  }
0x3d: {  	_ =	shalt  }
0x3e: {  	_ =	shalt  }
0x3f: {  	_ =	shalt  }
0x40: {  	_ =	shalt  }
0x41: {  	_ =	shalt  }
0x42: {  	_ =	shalt  }
0x43: {  	_ =	shalt  }
0x44: {  	_ =	shalt  }
0x45: {  	_ =	shalt  }
0x46: {  	_ =	shalt  }
0x47: {  	_ =	shalt  }
0x48: {  	_ =	shalt  }
0x49: {  	_ =	shalt  }
0x4a: {  	_ =	shalt  }
0x4b: {  	_ =	shalt  }
0x4c: {  	_ =	shalt  }
0x4d: {  	_ =	shalt  }
0x4e: {  	_ =	shalt  }
0x4f: {  	_ =	shalt  }
0x50: {  	_ =	shalt  }
0x51: {  	_ =	shalt  }
0x52: {  	_ =	shalt  }
0x53: {  	_ =	shalt  }
0x54: {  	_ =	shalt  }
0x55: {  	_ =	shalt  }
0x56: {  	_ =	shalt  }
0x57: {  	_ =	shalt  }
0x58: {  	_ =	shalt  }
0x59: {  	_ =	shalt  }
0x5a: {  	_ =	shalt  }
0x5b: {  	_ =	shalt  }
0x5c: {  	_ =	shalt  }
0x5d: {  	_ =	shalt  }
0x5e: {  	_ =	shalt  }
0x5f: {  	_ =	shalt  }
0x60: {  	_ =	shalt  }
0x61: {  	_ =	shalt  }
0x62: {  	_ =	shalt  }
0x63: {  	_ =	shalt  }
0x64: {  	_ =	shalt  }
0x65: {  	_ =	shalt  }
0x66: {  	_ =	shalt  }
0x67: {  	_ =	shalt  }
0x68: {  	_ =	shalt  }
0x69: {  	_ =	shalt  }
0x6a: {  	_ =	shalt  }
0x6b: {  	_ =	shalt  }
0x6c: {  	_ =	shalt  }
0x6d: {  	_ =	shalt  }
0x6e: {  	_ =	shalt  }
0x6f: {  	_ =	shalt  }
0x70: {  	_ =	shalt  }
0x71: {  	_ =	shalt  }
0x72: {  	_ =	shalt  }
0x73: {  	_ =	shalt  }
0x74: {  	_ =	shalt  }
0x75: {  	_ =	shalt  }
0x76: {  	_ =	shalt  }
0x77: {  	_ =	shalt  }
0x78: {  	_ =	shalt  }
0x79: {  	_ =	shalt  }
0x7a: {  	_ =	shalt  }
0x7b: {  	_ =	shalt  }
0x7c: {  	_ =	shalt  }
0x7d: {  	_ =	shalt  }
0x7e: {  	_ =	shalt  }
0x7f: {  	_ =	shalt  }
0x80: {  	_ =	shalt  }
0x81: {  	_ =	shalt  }
0x82: {  	_ =	shalt  }
0x83: {  	_ =	shalt  }
0x84: {  	_ =	shalt  }
0x85: {  	_ =	shalt  }
0x86: {  	_ =	shalt  }
0x87: {  	_ =	shalt  }
.Lfunc_end0:
.L_simem_size_0:
called_computation_lowered:
.L_overlay_start_0:
0x88: {  	s2 =	sld [smem:$0x3FD9]  }
0x89: {  	s3 =	sld [smem:$0x3FFE];
	_ =	sdelay $0x1  }
0x8a: {  	s1 =	srdreg.scid  }
0x8b: {  	s0 =	sand.u32 $0x1, s1  }
0x8c: {  	s17 =	sshll.u32 s0, $0xA;
	s2 =	sadd.s32 s3, s2  }
0x8d: {  	s2 =	sadd.s32 s2, s17  }
0x8e: {  	[smem:$0x3FC6] =	sst s2  }
0x8f: {  	_ = 	snop  }
0x90: {  	s2 =	sld [smem:$0x3FC8]  }
0x91: {  	s18 =	sld [smem:$0x3FD0];
	(tm) =	ssettm $0x1  }
0x92: {  	s4 =	sld [smem:$0x3FFB];
	_ =	sdelay $0x3  }
0x93: {  	_ =	strace s4  }
0x94: {  	s4 =	sld [smem:$0x3FFC];
	_ =	sdelay $0x3  }
0x95: {  	_ =	strace s4  }
0x96: {  	s4 =	sld [smem:$0x3FFD];
	_ =	sdelay $0x3  }
0x97: {  	_ =	strace s4  }
0x98: {  	_ =	strace $0x8FFFFFFF  }
0x99: {  	s19 =	sld [smem:$0x3FDB];
	_ =	sdelay $0x1  }
0x9a: {  	s5 =	simm.s32 $_scs_section_size  }
0x9b: {  	s6 =	simm.s32 $_size__tile_overlayer_lowered;
	s7 =	simm.s32 $_tile_overlayer_lowered  }
0x9c: {  	s22 =	simm.s32 $0x1BFF;
	s21 =	sshll.u32 s7, $0x1;
	s4 =	sadd.s32 s5, s19  }
0x9d: {  	s8 =	simm.s32 $0x0;
	s20 =	sshll.u32 s6, $0x1;
	s6 =	sadd.s32 s21, s4  }
0x9e: {  	[timem:s8], [sflag:s22] =	dma.local [hbm:s6], s20  }
0x9f: {  	_ =	swait.ge [sflag:s22], s20  }
0xa0: {  	s5 =	ssub.s32 $0x0, s20;
	[sflag:s22] =	ssyncset.done $0x0  }
0xa1: {  	[sflag:s22] =	ssyncadd.s32 s5;
	_ =	sdelay $0x1  }
0xa2: {  	s23 =	simm.s32 $0x1B8B  }
0xa3: {  	_ =	swait.ge [sflag:s23], $0x1  }
0xa4: {  	[sflag:s23] =	ssyncset.done $0x0  }
0xa5: {  	s25 =	simm.s32 $0x1B8E;
	s24 =	sld [smem:$0x3FFE];
	[sflag:s23] =	ssyncadd.s32 $0xFFFFFFFF  }
0xa6: {  	s26 =	simm.s32 $execute0_lowered;
	[smem:$0x3FD2] =	sst s25  }
0xa7: {  	s6 =	sshll.u32 s26, $0x1;
	_ =	strace $0x80000046;
	[dreg:$0x1] =	wrdreg $0xFFFFFFFF  }
0xa8: {  	s28 =	simm.s32 $_size_execute0_lowered;
	s4 =	sadd.s32 s4, s6;
	[dreg:$0x0] =	wrdreg $0x0  }
0xa9: {  	s6 =	sshll.u32 s28, $0x1;
	[dreg:$0x2] =	wrdreg s4  }
0xaa: {  	[dreg:$0x3] =	wrdreg s6  }
0xab: {  	[dreg:$0x4] =	wrdreg $0xC0  }
0xac: {  	_ =	task [dreg:s8], $0x5FFFF  }
0xad: {  	[dreg:$0x1] =	wrdreg $0xFFFFFFFF  }
0xae: {  	[dreg:$0x0] =	wrdreg $0x60  }
0xaf: {  	[dreg:$0x2] =	wrdreg s2  }
0xb0: {  	[dreg:$0x3] =	wrdreg s24  }
0xb1: {  	[dreg:$0x4] =	wrdreg s18  }
0xb2: {  	[dreg:$0x5] =	wrdreg $0x0  }
0xb3: {  	[dreg:$0x6] =	wrdreg $0x9  }
0xb4: {  	_ =	task.clear_ibuf [dreg:s8], $0x7FFFF;
	_ =	strace $0x90000046  }
0xb5: {  	s29 =	simm.s32 $0x9;
	_ =	strace $0x80000048  }
0xb6: {  	_ =	swait.ge [sflag:s29], $0x1  }
0xb7: {  	[sflag:s29] =	ssyncadd.s32 $0xFFFFFFFF  }
0xb8: {  	_ =	strace $0x90000048  }
0xb9: {  	_ =	sfence  }
0xba: {  	s30 =	sld [smem:$0x0];
	_ =	sdelay $0x2  }
0xbb: {  	s31 =	sshll.u32 s1, $0xD;
	s1 =	sshrl.u32 s1, $0x2  }
0xbc: {  	s3 =	sand.u32 $0x4000, s31;
	s1 =	sadd.s32 s1, s30  }
0xbd: {  	s0 =	sor.u32 s3, s0;
	s1 =	sshll.u32 s1, $0x11  }
0xbe: {  	s0 =	sor.u32 s1, s0  }
0xbf: {  	s0 =	sadd.s32 $0x8F2B, s0  }
0xc0: {  	[sflag:s0] =	ssyncadd.remote.s32 $0x1  }
0xc1: {  	_ =	sfence.sel $0xFFFF  }
0xc2: {  	[dreg:$0x0] =	wrdreg $0xFFFFFFFF;
	(pc) =	sbr.abs _section_cstart, $3  }
0xc3: {  	[dreg:$0x1] =	wrdreg $0xFFFFFFFF  }
0xc4: {  	_ =	task.clear_ibuf [dreg:s8], $0x2FFFF;
	_ =	strace $0x9FFFFFFF  }
0xc5: {  	(tm) =	ssettm $0x7FFFFFFF  }
tec
execute0_lowered:
.L_overlay_start_1:
0x0: {  	(tag) =	ssettag $0x1  }
0x1: {  	s0 =	rddreg [dreg:$0x0]  }
0x2: {  	s5 =	rddreg [dreg:$0x1];
	s1 =	srdreg.scid  }
0x3: {  	s7 =	stileid.u32;
	s2 =	rddreg [dreg:$0x2]  }
0x4: {  	s3 =	rddreg [dreg:$0x3];
	s4 =	simm.s32 $0x0;
	s13 =	simm.s32 $0x6F70  }
0x5: {  	s14 =	simm.s32 $0xBF0;
	s15 =	simm.s32 $0xAF70;
	s16 =	simm.s32 $0xC70  }
0x6: {  	s17 =	simm.s32 $0xEF70;
	s18 =	simm.s32 $0xCF0;
	s19 =	simm.s32 $0x12F70  }
0x7: {  	s20 =	simm.s32 $0xD70;
	s21 =	simm.s32 $0x16F70;
	s9 =	smul.u32 $0xC8000, s7  }
0x8: {  	s22 =	simm.s32 $0x1;
	s6 =	sand.u32 $0x1, s1;
	s11 =	smul.u32 $0x190, s7  }
0x9: {  	s23 =	simm.s32 $0x6;
	s28 =	sshll.u32 s7, $0x1;
	s12 =	smul.u32 $0xC8, s6  }
0xa: {  	s24 =	simm.s32 $0x0;
	s8 =	sor.u32 s6, s28;
	s30 =	smul.u32 $0x64000, s6  }
0xb: {  	[smem:$0x7FF] =	sst s4;
	p0 =	sne.s32 s7, $0x0;
	s8 =	smul.u32 $0xC80, s8  }
.Ltmp0:
0xc: {  	_ =	strace $0x80000047;
	s10 =	ssub.s32 $0x2, s6;
	(pc) =	sbr.rel .LBB2_1-.Ltmp0, $4  }
0xd: {  	s29 =	sshrl.u32 s10, $0x1;
	s31 =	sadd.s32 s12, s11;
	s7 =	sadd.s32 s30, s9  }
0xe: {  	s9 =	sshrl.u32 @!p0 s3, $0x3;
	s11 =	simm.s32 $0x7;
	s12 =	simm.s32 $0x80  }
0xf: {  	s5 =	sadd.s32 s8, s5;
	s8 =	ssub.s32 s10, s29;
	s10 =	simm.s32 $0xB70  }
0x10: {  	s5 =	sadd.s32 $0x400, s5;
	s6 =	smax.u32 s8, $0x1;
	s8 =	sshll.u32 s31, $0xB  }
.LBB2_4:
0x11: {  	s24 =	sadd.s32 $0x1, s24  }
0x12: {  	p1 =	sne.s32 s24, s6  }
.Ltmp1:
0x13: {  	_ = 	snop;
	(pc) =	sbr.rel @!p1 .LBB2_5-.Ltmp1, $4  }
0x14: {  	_ = 	snop  }
0x15: {  	_ =	swait.ge [sflag:s23], $0x4000  }
0x16: {  	[sflag:s23] =	ssyncset.done $0x0  }
0x17: {  	[sflag:s23] =	ssyncadd.s32 $0xFFFFC000  }
.LBB2_1:
0x18: {  	s25 =	simm.s32 @!p0 $0x1C07  }
0x19: {  	[spmem:s9], [sflag:s25] =	dma.local @!p0 [hbm:s0], $0x16E0  }
0x1a: {  	s25 =	simm.s32 @!p0 $0x7  }
0x1b: {  	_ =	swait.ge @!p0 [sflag:s25], $0x16E0  }
0x1c: {  	[sflag:s25] =	ssyncset.done @!p0 $0x0  }
0x1d: {  	[sflag:s25] =	ssyncadd.s32 @!p0 $0xFFFFE920  }
0x1e: {  	[tilespmem:s10], [sflag:$0x7] =	stream.linear.gather [hbm4b:s5+s4], $0x6400, $0x38;
	[tilespmem:$0x1AF70] =	vst v63  }
0x1f: {  	_ =	swait.ge [sflag:s11], $0x6400  }
0x20: {  	[sflag:s11] =	ssyncset.done $0x0  }
0x21: {  	[sflag:s11] =	ssyncadd.s32 $0xFFFF9C00  }
0x22: {  	v0 =	vld [tilespmem:$0xB70]  }
0x23: {  	v1 =	vld [tilespmem:$0xB80]  }
0x24: {  	v2 =	vld [tilespmem:$0xB90]  }
0x25: {  	v3 =	vld [tilespmem:$0xBA0]  }
0x26: {  	v4 =	vld [tilespmem:$0xBB0]  }
0x27: {  	v5 =	vld [tilespmem:$0xBC0]  }
0x28: {  	v6 =	vld [tilespmem:$0xBD0]  }
0x29: {  	v7 =	vld [tilespmem:$0xBE0]  }
0x2a: {  	v8 =	vld [tilespmem:$0xBF0]  }
0x2b: {  	v9 =	vld [tilespmem:$0xC00]  }
0x2c: {  	v10 =	vld [tilespmem:$0xC10]  }
0x2d: {  	v11 =	vld [tilespmem:$0xC20]  }
0x2e: {  	v12 =	vld [tilespmem:$0xC30]  }
0x2f: {  	v13 =	vld [tilespmem:$0xC40]  }
0x30: {  	v14 =	vld [tilespmem:$0xC50]  }
0x31: {  	v15 =	vld [tilespmem:$0xC60]  }
0x32: {  	v33 =	vld [tilespmem:$0xC70];
	vm0 =	vgt.s32 v0, $0x1  }
0x33: {  	v36 =	vld [tilespmem:$0xC80];
	vm13 =	vgt.s32 v1, $0x1;
	vm14 =	vgt.s32 v2, $0x1;
	vm15 =	vgt.s32 v3, $0x1  }
0x34: {  	v39 =	vld [tilespmem:$0xC90];
	vm4 =	vgt.s32 v4, $0x1;
	vm5 =	vgt.s32 v5, $0x1;
	vm6 =	vgt.s32 v6, $0x1  }
0x35: {  	v44 =	vld [tilespmem:$0xCA0];
	vm7 =	vgt.s32 v7, $0x1;
	vm8 =	vgt.s32 v8, $0x1;
	vm9 =	vgt.s32 v9, $0x1  }
0x36: {  	v46 =	vld [tilespmem:$0xCB0];
	vm10 =	vgt.s32 v10, $0x1;
	vm11 =	vgt.s32 v11, $0x1;
	vm12 =	vgt.s32 v12, $0x1  }
0x37: {  	v48 =	vld [tilespmem:$0xCC0];
	v0 =	vnsel vm0, $0x1, v0;
	v1 =	vnsel vm13, $0x1, v1;
	v2 =	vnsel vm14, $0x1, v2  }
0x38: {  	v51 =	vld [tilespmem:$0xCD0];
	v3 =	vnsel vm15, $0x1, v3;
	v4 =	vnsel vm4, $0x1, v4;
	v5 =	vnsel vm5, $0x1, v5  }
0x39: {  	v52 =	vld [tilespmem:$0xCE0];
	v6 =	vnsel vm6, $0x1, v6;
	v7 =	vnsel vm7, $0x1, v7;
	v8 =	vnsel vm8, $0x1, v8  }
0x3a: {  	v55 =	vld [tilespmem:$0xCF0];
	v9 =	vnsel vm9, $0x1, v9;
	v10 =	vnsel vm10, $0x1, v10;
	v11 =	vnsel vm11, $0x1, v11  }
0x3b: {  	v32 =	vnsel vm12, $0x1, v12;
	vm13 =	vgt.s32 v13, $0x1;
	vm14 =	vgt.s32 v14, $0x1  }
0x3c: {  	vm15 =	vgt.s32 v15, $0x1;
	vm4 =	vgt.s32 v33, $0x1;
	vm5 =	vgt.s32 v36, $0x1  }
0x3d: {  	vm6 =	vgt.s32 v39, $0x1;
	vm7 =	vgt.s32 v44, $0x1;
	vm8 =	vgt.s32 v46, $0x1  }
0x3e: {  	vm9 =	vgt.s32 v48, $0x1;
	vm10 =	vgt.s32 v51, $0x1;
	vm11 =	vgt.s32 v52, $0x1  }
0x3f: {  	vm12 =	vgt.s32 v55, $0x1;
	v0 =	vmin.u32 v0, $0x16E;
	v1 =	vmin.u32 v1, $0x16E  }
0x40: {  	v2 =	vmin.u32 v2, $0x16E;
	v3 =	vmin.u32 v3, $0x16E;
	v4 =	vmin.u32 v4, $0x16E  }
0x41: {  	v5 =	vmin.u32 v5, $0x16E;
	v6 =	vmin.u32 v6, $0x16E;
	v0 =	vadd.s32 $0xFFFFFFFF, v0  }
0x42: {  	v7 =	vmin.u32 v7, $0x16E;
	v8 =	vmin.u32 v8, $0x16E;
	v1 =	vadd.s32 $0xFFFFFFFF, v1;
	[tilespmem:$0xB70] =	vst v0  }
0x43: {  	v9 =	vmin.u32 v9, $0x16E;
	v10 =	vmin.u32 v10, $0x16E;
	v2 =	vadd.s32 $0xFFFFFFFF, v2;
	[tilespmem:$0xB80] =	vst v1  }
0x44: {  	v60 =	vld [tilespmem:$0xD00];
	v31 =	vmin.u32 v11, $0x16E;
	v35 =	vmin.u32 v32, $0x16E;
	v3 =	vadd.s32 $0xFFFFFFFF, v3;
	[tilespmem:$0xB90] =	vst v2  }
0x45: {  	v62 =	vld [tilespmem:$0xD10];
	v38 =	vnsel vm13, $0x1, v13;
	v41 =	vnsel vm14, $0x1, v14;
	v4 =	vadd.s32 $0xFFFFFFFF, v4;
	[tilespmem:$0xBA0] =	vst v3  }
0x46: {  	v16 =	vld [tilespmem:$0xD30];
	v43 =	vnsel vm15, $0x1, v15;
	v47 =	vnsel vm4, $0x1, v33;
	v5 =	vadd.s32 $0xFFFFFFFF, v5;
	[tilespmem:$0xBB0] =	vst v4  }
0x47: {  	v17 =	vld [tilespmem:$0xD40];
	v49 =	vnsel vm5, $0x1, v36;
	v50 =	vnsel vm6, $0x1, v39;
	v6 =	vadd.s32 $0xFFFFFFFF, v6;
	[tilespmem:$0xBC0] =	vst v5  }
0x48: {  	v20 =	vld [tilespmem:$0xD50];
	v54 =	vnsel vm7, $0x1, v44;
	v57 =	vnsel vm8, $0x1, v46;
	v7 =	vadd.s32 $0xFFFFFFFF, v7;
	[tilespmem:$0xBD0] =	vst v6  }
0x49: {  	v23 =	vld [tilespmem:$0xD60];
	v59 =	vnsel vm9, $0x1, v48;
	v63 =	vnsel vm10, $0x1, v51;
	v8 =	vadd.s32 $0xFFFFFFFF, v8;
	[tilespmem:$0xBE0] =	vst v7  }
0x4a: {  	v26 =	vld [tilespmem:$0xD70];
	v14 =	vnsel vm11, $0x1, v52;
	v15 =	vnsel vm12, $0x1, v55;
	v9 =	vadd.s32 $0xFFFFFFFF, v9;
	[tilespmem:$0xBF0] =	vst v8  }
0x4b: {  	v28 =	vld [tilespmem:$0xD80];
	vm13 =	vgt.s32 v60, $0x1;
	vm14 =	vgt.s32 v62, $0x1;
	v30 =	vadd.s32 $0xFFFFFFFF, v10;
	[tilespmem:$0xC00] =	vst v9  }
0x4c: {  	vm4 =	vgt.s32 v16, $0x1;
	vm5 =	vgt.s32 v17, $0x1;
	v34 =	vadd.s32 $0xFFFFFFFF, v31;
	[tilespmem:$0xC10] =	vst v30  }
0x4d: {  	vm6 =	vgt.s32 v20, $0x1;
	v37 =	vadd.s32 $0xFFFFFFFF, v35;
	v40 =	vmin.u32 v38, $0x16E;
	[tilespmem:$0xC20] =	vst v34  }
0x4e: {  	vm7 =	vgt.s32 v23, $0x1;
	v42 =	vmin.u32 v41, $0x16E;
	v3 =	vadd.s32 $0xFFFFFFFF, v40;
	[tilespmem:$0xC30] =	vst v37  }
0x4f: {  	vm8 =	vgt.s32 v26, $0x1;
	v45 =	vmin.u32 v43, $0x16E;
	v4 =	vadd.s32 $0xFFFFFFFF, v42;
	[tilespmem:$0xC40] =	vst v3  }
0x50: {  	vm9 =	vgt.s32 v28, $0x1;
	v56 =	vmin.u32 v54, $0x16E;
	v5 =	vadd.s32 $0xFFFFFFFF, v45;
	[tilespmem:$0xC50] =	vst v4  }
0x51: {  	v58 =	vmin.u32 v57, $0x16E;
	v61 =	vmin.u32 v59, $0x16E;
	v1 =	vadd.s32 $0xFFFFFFFF, v56;
	[tilespmem:$0xC60] =	vst v5  }
0x52: {  	v19 =	vnsel vm13, $0x1, v60;
	v6 =	vmin.u32 v47, $0x16E;
	v2 =	vadd.s32 $0xFFFFFFFF, v58;
	[tilespmem:$0xCA0] =	vst v1  }
0x53: {  	v22 =	vnsel vm14, $0x1, v62;
	v7 =	vmin.u32 v49, $0x16E;
	v6 =	vadd.s32 $0xFFFFFFFF, v6;
	[tilespmem:$0xCB0] =	vst v2  }
0x54: {  	v29 =	vnsel vm4, $0x1, v16;
	v8 =	vmin.u32 v50, $0x16E;
	v7 =	vadd.s32 $0xFFFFFFFF, v7;
	[tilespmem:$0xC70] =	vst v6  }
0x55: {  	v31 =	vnsel vm5, $0x1, v17;
	v38 =	vnsel vm8, $0x1, v26;
	v53 =	vadd.s32 $0xFFFFFFFF, v8;
	[tilespmem:$0xC80] =	vst v7  }
0x56: {  	v21 =	vmin.u32 v19, $0x16E;
	v24 =	vmin.u32 v22, $0x16E;
	v3 =	vadd.s32 $0xFFFFFFFF, v61;
	[tilespmem:$0xC90] =	vst v53  }
0x57: {  	v12 =	vld [tilespmem:$0xD20];
	v34 =	vnsel vm6, $0x1, v20;
	v36 =	vmin.u32 v31, $0x16E;
	v1 =	vadd.s32 $0xFFFFFFFF, v21;
	[tilespmem:$0xCC0] =	vst v3  }
0x58: {  	v37 =	vnsel vm7, $0x1, v23;
	v48 =	vmin.u32 v38, $0x16E;
	v2 =	vadd.s32 $0xFFFFFFFF, v24;
	[tilespmem:$0xD00] =	vst v1  }
0x59: {  	v32 =	vld [tilespmem:$0xDA0];
	v40 =	vnsel vm9, $0x1, v28;
	v4 =	vmin.u32 v63, $0x16E;
	v51 =	vadd.s32 $0xFFFFFFFF, v48;
	[tilespmem:$0xD10] =	vst v2  }
0x5a: {  	v46 =	vld [tilespmem:$0xDD0];
	v5 =	vmin.u32 v14, $0x16E;
	v39 =	vmin.u32 v34, $0x16E;
	v4 =	vadd.s32 $0xFFFFFFFF, v4;
	[tilespmem:$0xD70] =	vst v51  }
0x5b: {  	v35 =	vld [tilespmem:$0xDB0];
	v44 =	vmin.u32 v37, $0x16E;
	v52 =	vmin.u32 v40, $0x16E;
	v5 =	vadd.s32 $0xFFFFFFFF, v5;
	[tilespmem:$0xCD0] =	vst v4  }
0x5c: {  	v43 =	vld [tilespmem:$0xDC0];
	v6 =	vmin.u32 v15, $0x16E;
	vm15 =	vgt.s32 v12, $0x1;
	v1 =	vadd.s32 $0xFFFFFFFF, v36;
	[tilespmem:$0xCE0] =	vst v5  }
0x5d: {  	v30 =	vld [tilespmem:$0xD90];
	v41 =	vadd.s32 $0xFFFFFFFF, v39;
	v47 =	vadd.s32 $0xFFFFFFFF, v44;
	v53 =	vadd.s32 $0xFFFFFFFF, v52;
	[tilespmem:$0xD40] =	vst v1  }
0x5e: {  	v18 =	vadd.s32 $0xFFFFFFFF, v6;
	v25 =	vnsel vm15, $0x1, v12;
	v4 =	vmin.u32 v29, $0x16E;
	[tilespmem:$0xD50] =	vst v41  }
0x5f: {  	vm11 =	vgt.s32 v32, $0x1;
	[tilespmem:$0xD60] =	vst v47;
	vm14 =	vgt.s32 v46, $0x1;
	v27 =	vmin.u32 v25, $0x16E  }
0x60: {  	v50 =	vld [tilespmem:$0xDE0];
	[tilespmem:$0xD80] =	vst v53;
	v33 =	vadd.s32 $0xFFFFFFFF, v4;
	v45 =	vnsel vm11, $0x1, v32;
	vm12 =	vgt.s32 v35, $0x1  }
0x61: {  	[tilespmem:$0xCF0] =	vst v18;
	vm13 =	vgt.s32 v43, $0x1;
	v60 =	vnsel vm14, $0x1, v46;
	v3 =	vadd.s32 $0xFFFFFFFF, v27  }
0x62: {  	vm10 =	vgt.s32 v30, $0x1;
	[tilespmem:$0xD30] =	vst v33;
	v49 =	vnsel vm12, $0x1, v35;
	v55 =	vmin.u32 v45, $0x16E  }
0x63: {  	v58 =	vnsel vm13, $0x1, v43;
	[tilespmem:$0xD20] =	vst v3;
	v56 =	vadd.s32 $0xFFFFFFFF, v55;
	v2 =	vmin.u32 v49, $0x16E  }
0x64: {  	v42 =	vnsel vm10, $0x1, v30;
	v59 =	vmin.u32 v58, $0x16E;
	v57 =	vadd.s32 $0xFFFFFFFF, v2;
	[tilespmem:$0xDA0] =	vst v56  }
0x65: {  	vm15 =	vgt.s32 v50, $0x1;
	v3 =	vmin.u32 v42, $0x16E;
	v0 =	vadd.s32 $0xFFFFFFFF, v59;
	[tilespmem:$0xDB0] =	vst v57  }
0x66: {  	v61 =	vnsel vm15, $0x1, v50;
	v2 =	vmin.u32 v60, $0x16E;
	v54 =	vadd.s32 $0xFFFFFFFF, v3;
	[tilespmem:$0xDC0] =	vst v0  }
0x67: {  	v1 =	vmin.u32 v61, $0x16E;
	v62 =	vadd.s32 $0xFFFFFFFF, v2;
	[tilespmem:$0xD90] =	vst v54  }
0x68: {  	v63 =	vadd.s32 $0xFFFFFFFF, v1;
	[tilespmem:$0xDD0] =	vst v62  }
0x69: {  	[tilespmem:$0xDE0] =	vst v63  }
0x6a: {  	[bflag:$0x0] =	sbarrier.arrive $0xFFFF  }
0x6b: {  	[tilespmem:s13], [sflag:$0x1] =	stream.indirect.gather [spmem:s3], $0x80, s10, s12, $0xb8;
	[tilespmem:$0x1AF70] =	vst v63  }
0x6c: {  	_ = 	snop  }
0x6d: {  	[tilespmem:s15], [sflag:$0x1] =	stream.indirect.gather [spmem:s3], $0x80, s14, s12, $0xb8;
	[tilespmem:$0x1AF70] =	vst v63  }
0x6e: {  	_ = 	snop  }
0x6f: {  	[tilespmem:s17], [sflag:$0x1] =	stream.indirect.gather [spmem:s3], $0x80, s16, s12, $0xb8;
	[tilespmem:$0x1AF70] =	vst v63  }
0x70: {  	_ = 	snop  }
0x71: {  	[tilespmem:s19], [sflag:$0x1] =	stream.indirect.gather [spmem:s3], $0x80, s18, s12, $0xb8;
	[tilespmem:$0x1AF70] =	vst v63  }
0x72: {  	s26 =	simm.s32 $0x0;
	s25 =	smov.u32 s2  }
0x73: {  	[tilespmem:s21], [sflag:$0x1] =	stream.indirect.gather [spmem:s3], $0x80, s20, s12, $0xb8;
	[tilespmem:$0x1AF70] =	vst v63  }
.LBB2_2:
0x74: {  	_ =	swait.ge [sflag:s22], $0x4000  }
0x75: {  	[sflag:s22] =	ssyncset.done $0x0  }
0x76: {  	s28 =	sadd.s32 s25, s7;
	p1 =	seq.s32 s26, $0x18600;
	[sflag:s22] =	ssyncadd.s32 $0xFFFFC000  }
0x77: {  	[hbm4b:s28+s4] =	stream.linear.scatter [tilespmem:s13], [sflag:$0x2], $0x4000, $0x38;
	[tilespmem:$0x1AF70] =	vst v63  }
0x78: {  	s28 =	simm.s32 @p1 $0x2  }
0x79: {  	_ =	swait.ge @p1 [sflag:s28], $0x4000  }
0x7a: {  	[sflag:s28] =	ssyncset.done @p1 $0x0  }
0x7b: {  	[sflag:s28] =	ssyncadd.s32 @p1 $0xFFFFC000;
	s28 =	sshra.s32 @!p1 s26, $0x2  }
0x7c: {  	v0 =	vld @!p1 [tilespmem:s28+$0xDF0]  }
0x7d: {  	v1 =	vld @!p1 [tilespmem:s28+$0xE00];
	_ =	sdelay $0x1  }
0x7e: {  	v2 =	vld @!p1 [tilespmem:s28+$0xE10]  }
0x7f: {  	v3 =	vld @!p1 [tilespmem:s28+$0xE20]  }
0x80: {  	v4 =	vld @!p1 [tilespmem:s28+$0xE30];
	vm0 =	vgt.s32 @!p1 v0, $0x1  }
0x81: {  	v0 =	vnsel @!p1 vm0, $0x1, v0;
	vm0 =	vgt.s32 @!p1 v1, $0x1  }
0x82: {  	v5 =	vld @!p1 [tilespmem:s28+$0xE40];
	v0 =	vmin.u32 @!p1 v0, $0x16E;
	v1 =	vnsel @!p1 vm0, $0x1, v1  }
0x83: {  	v6 =	vld @!p1 [tilespmem:s28+$0xE50];
	vm0 =	vgt.s32 @!p1 v2, $0x1;
	v0 =	vadd.s32 @!p1 $0xFFFFFFFF, v0;
	v1 =	vmin.u32 @!p1 v1, $0x16E  }
0x84: {  	v7 =	vld @!p1 [tilespmem:s28+$0xE60];
	v2 =	vnsel @!p1 vm0, $0x1, v2;
	vm0 =	vgt.s32 @!p1 v3, $0x1;
	v1 =	vadd.s32 @!p1 $0xFFFFFFFF, v1  }
0x85: {  	v2 =	vmin.u32 @!p1 v2, $0x16E;
	v3 =	vnsel @!p1 vm0, $0x1, v3;
	vm0 =	vgt.s32 @!p1 v4, $0x1  }
0x86: {  	[tilespmem:s28+$0xDF0] =	vst @!p1 v0;
	v0 =	vadd.s32 @!p1 $0xFFFFFFFF, v2;
	v2 =	vmin.u32 @!p1 v3, $0x16E;
	v3 =	vnsel @!p1 vm0, $0x1, v4  }
0x87: {  	[tilespmem:s28+$0xE00] =	vst @!p1 v1;
	vm0 =	vgt.s32 @!p1 v5, $0x1;
	v1 =	vadd.s32 @!p1 $0xFFFFFFFF, v2;
	v2 =	vmin.u32 @!p1 v3, $0x16E  }
0x88: {  	[tilespmem:s28+$0xE10] =	vst @!p1 v0;
	v0 =	vadd.s32 @!p1 $0xFFFFFFFF, v2;
	v2 =	vnsel @!p1 vm0, $0x1, v5;
	vm0 =	vgt.s32 @!p1 v6, $0x1  }
0x89: {  	[tilespmem:s28+$0xE20] =	vst @!p1 v1;
	v1 =	vmin.u32 @!p1 v2, $0x16E;
	v2 =	vnsel @!p1 vm0, $0x1, v6;
	vm0 =	vgt.s32 @!p1 v7, $0x1  }
0x8a: {  	[tilespmem:s28+$0xE30] =	vst @!p1 v0;
	v0 =	vadd.s32 @!p1 $0xFFFFFFFF, v1;
	v1 =	vmin.u32 @!p1 v2, $0x16E;
	v2 =	vnsel @!p1 vm0, $0x1, v7  }
0x8b: {  	[tilespmem:s28+$0xE40] =	vst @!p1 v0;
	v0 =	vadd.s32 @!p1 $0xFFFFFFFF, v1;
	v1 =	vmin.u32 @!p1 v2, $0x16E  }
0x8c: {  	[tilespmem:s28+$0xE50] =	vst @!p1 v0;
	v0 =	vadd.s32 @!p1 $0xFFFFFFFF, v1  }
0x8d: {  	s29 =	simm.s32 @!p1 $0x2;
	[tilespmem:s28+$0xE60] =	vst @!p1 v0  }
0x8e: {  	_ =	swait.ge @!p1 [sflag:s29], $0x4000  }
0x8f: {  	s31 =	simm.s32 @!p1 $0x6F70;
	[sflag:s29] =	ssyncset.done @!p1 $0x0  }
0x90: {  	s30 =	sadd.s32 @!p1 $0xDF0, s28;
	[sflag:s29] =	ssyncadd.s32 @!p1 $0xFFFFC000;
	s29 =	simm.s32 @!p1 $0x80  }
0x91: {  	[tilespmem:s31], [sflag:$0x1] =	stream.indirect.gather @!p1 [spmem:s3], $0x80, s30, s29, $0xb8;
	[tilespmem:$0x1AF70] =	vst v63  }
0x92: {  	_ =	swait.ge [sflag:s22], $0x4000  }
0x93: {  	s30 =	sadd.s32 s25, s8;
	[sflag:s22] =	ssyncset.done $0x0  }
0x94: {  	s31 =	simm.s32 @p1 $0x3;
	s1 =	sadd.s32 $0x800, s30;
	[sflag:s22] =	ssyncadd.s32 $0xFFFFC000  }
0x95: {  	[hbm4b:s1+s4] =	stream.linear.scatter [tilespmem:s15], [sflag:$0x3], $0x4000, $0x38;
	[tilespmem:$0x1AF70] =	vst v63  }
0x96: {  	_ =	swait.ge @p1 [sflag:s31], $0x4000  }
0x97: {  	[sflag:s31] =	ssyncset.done @p1 $0x0  }
0x98: {  	[sflag:s31] =	ssyncadd.s32 @p1 $0xFFFFC000  }
0x99: {  	v0 =	vld @!p1 [tilespmem:s28+$0xE70]  }
0x9a: {  	v1 =	vld @!p1 [tilespmem:s28+$0xE80];
	_ =	sdelay $0x1  }
0x9b: {  	v2 =	vld @!p1 [tilespmem:s28+$0xE90]  }
0x9c: {  	v3 =	vld @!p1 [tilespmem:s28+$0xEA0]  }
0x9d: {  	v4 =	vld @!p1 [tilespmem:s28+$0xEB0];
	vm0 =	vgt.s32 @!p1 v0, $0x1  }
0x9e: {  	v0 =	vnsel @!p1 vm0, $0x1, v0;
	vm0 =	vgt.s32 @!p1 v1, $0x1  }
0x9f: {  	v5 =	vld @!p1 [tilespmem:s28+$0xEC0];
	v0 =	vmin.u32 @!p1 v0, $0x16E;
	v1 =	vnsel @!p1 vm0, $0x1, v1  }
0xa0: {  	v6 =	vld @!p1 [tilespmem:s28+$0xED0];
	vm0 =	vgt.s32 @!p1 v2, $0x1;
	v0 =	vadd.s32 @!p1 $0xFFFFFFFF, v0;
	v1 =	vmin.u32 @!p1 v1, $0x16E  }
0xa1: {  	v7 =	vld @!p1 [tilespmem:s28+$0xEE0];
	v2 =	vnsel @!p1 vm0, $0x1, v2;
	vm0 =	vgt.s32 @!p1 v3, $0x1;
	v1 =	vadd.s32 @!p1 $0xFFFFFFFF, v1  }
0xa2: {  	v2 =	vmin.u32 @!p1 v2, $0x16E;
	v3 =	vnsel @!p1 vm0, $0x1, v3;
	vm0 =	vgt.s32 @!p1 v4, $0x1  }
0xa3: {  	[tilespmem:s28+$0xE70] =	vst @!p1 v0;
	v0 =	vadd.s32 @!p1 $0xFFFFFFFF, v2;
	v2 =	vmin.u32 @!p1 v3, $0x16E;
	v3 =	vnsel @!p1 vm0, $0x1, v4  }
0xa4: {  	[tilespmem:s28+$0xE80] =	vst @!p1 v1;
	vm0 =	vgt.s32 @!p1 v5, $0x1;
	v1 =	vadd.s32 @!p1 $0xFFFFFFFF, v2;
	v2 =	vmin.u32 @!p1 v3, $0x16E  }
0xa5: {  	[tilespmem:s28+$0xE90] =	vst @!p1 v0;
	v0 =	vadd.s32 @!p1 $0xFFFFFFFF, v2;
	v2 =	vnsel @!p1 vm0, $0x1, v5;
	vm0 =	vgt.s32 @!p1 v6, $0x1  }
0xa6: {  	[tilespmem:s28+$0xEA0] =	vst @!p1 v1;
	v1 =	vmin.u32 @!p1 v2, $0x16E;
	v2 =	vnsel @!p1 vm0, $0x1, v6;
	vm0 =	vgt.s32 @!p1 v7, $0x1  }
0xa7: {  	[tilespmem:s28+$0xEB0] =	vst @!p1 v0;
	v0 =	vadd.s32 @!p1 $0xFFFFFFFF, v1;
	v1 =	vmin.u32 @!p1 v2, $0x16E;
	v2 =	vnsel @!p1 vm0, $0x1, v7  }
0xa8: {  	[tilespmem:s28+$0xEC0] =	vst @!p1 v0;
	v0 =	vadd.s32 @!p1 $0xFFFFFFFF, v1;
	v1 =	vmin.u32 @!p1 v2, $0x16E  }
0xa9: {  	[tilespmem:s28+$0xED0] =	vst @!p1 v0;
	v0 =	vadd.s32 @!p1 $0xFFFFFFFF, v1  }
0xaa: {  	s31 =	simm.s32 @!p1 $0x3;
	[tilespmem:s28+$0xEE0] =	vst @!p1 v0  }
0xab: {  	_ =	swait.ge @!p1 [sflag:s31], $0x4000  }
0xac: {  	[sflag:s31] =	ssyncset.done @!p1 $0x0  }
0xad: {  	s1 =	sadd.s32 @!p1 $0xE70, s28;
	[sflag:s31] =	ssyncadd.s32 @!p1 $0xFFFFC000;
	s31 =	simm.s32 @!p1 $0xAF70  }
0xae: {  	[tilespmem:s31], [sflag:$0x1] =	stream.indirect.gather @!p1 [spmem:s3], $0x80, s1, s29, $0xb8;
	[tilespmem:$0x1AF70] =	vst v63  }
0xaf: {  	_ =	swait.ge [sflag:s22], $0x4000  }
0xb0: {  	[sflag:s22] =	ssyncset.done $0x0  }
0xb1: {  	s31 =	sadd.s32 $0x1000, s30;
	s1 =	simm.s32 @p1 $0x4;
	[sflag:s22] =	ssyncadd.s32 $0xFFFFC000  }
0xb2: {  	[hbm4b:s31+s4] =	stream.linear.scatter [tilespmem:s17], [sflag:$0x4], $0x4000, $0x38;
	[tilespmem:$0x1AF70] =	vst v63  }
0xb3: {  	_ =	swait.ge @p1 [sflag:s1], $0x4000  }
0xb4: {  	[sflag:s1] =	ssyncset.done @p1 $0x0  }
0xb5: {  	[sflag:s1] =	ssyncadd.s32 @p1 $0xFFFFC000  }
0xb6: {  	v0 =	vld @!p1 [tilespmem:s28+$0xEF0]  }
0xb7: {  	v1 =	vld @!p1 [tilespmem:s28+$0xF00];
	_ =	sdelay $0x1  }
0xb8: {  	v2 =	vld @!p1 [tilespmem:s28+$0xF10]  }
0xb9: {  	v3 =	vld @!p1 [tilespmem:s28+$0xF20]  }
0xba: {  	v4 =	vld @!p1 [tilespmem:s28+$0xF30];
	vm0 =	vgt.s32 @!p1 v0, $0x1  }
0xbb: {  	v0 =	vnsel @!p1 vm0, $0x1, v0;
	vm0 =	vgt.s32 @!p1 v1, $0x1  }
0xbc: {  	v5 =	vld @!p1 [tilespmem:s28+$0xF40];
	v0 =	vmin.u32 @!p1 v0, $0x16E;
	v1 =	vnsel @!p1 vm0, $0x1, v1  }
0xbd: {  	v6 =	vld @!p1 [tilespmem:s28+$0xF50];
	vm0 =	vgt.s32 @!p1 v2, $0x1;
	v0 =	vadd.s32 @!p1 $0xFFFFFFFF, v0;
	v1 =	vmin.u32 @!p1 v1, $0x16E  }
0xbe: {  	v7 =	vld @!p1 [tilespmem:s28+$0xF60];
	v2 =	vnsel @!p1 vm0, $0x1, v2;
	vm0 =	vgt.s32 @!p1 v3, $0x1;
	v1 =	vadd.s32 @!p1 $0xFFFFFFFF, v1  }
0xbf: {  	v2 =	vmin.u32 @!p1 v2, $0x16E;
	v3 =	vnsel @!p1 vm0, $0x1, v3;
	vm0 =	vgt.s32 @!p1 v4, $0x1  }
0xc0: {  	[tilespmem:s28+$0xEF0] =	vst @!p1 v0;
	v0 =	vadd.s32 @!p1 $0xFFFFFFFF, v2;
	v2 =	vmin.u32 @!p1 v3, $0x16E;
	v3 =	vnsel @!p1 vm0, $0x1, v4  }
0xc1: {  	[tilespmem:s28+$0xF00] =	vst @!p1 v1;
	vm0 =	vgt.s32 @!p1 v5, $0x1;
	v1 =	vadd.s32 @!p1 $0xFFFFFFFF, v2;
	v2 =	vmin.u32 @!p1 v3, $0x16E  }
0xc2: {  	[tilespmem:s28+$0xF10] =	vst @!p1 v0;
	v0 =	vadd.s32 @!p1 $0xFFFFFFFF, v2;
	v2 =	vnsel @!p1 vm0, $0x1, v5;
	vm0 =	vgt.s32 @!p1 v6, $0x1  }
0xc3: {  	[tilespmem:s28+$0xF20] =	vst @!p1 v1;
	v1 =	vmin.u32 @!p1 v2, $0x16E;
	v2 =	vnsel @!p1 vm0, $0x1, v6;
	vm0 =	vgt.s32 @!p1 v7, $0x1  }
0xc4: {  	[tilespmem:s28+$0xF30] =	vst @!p1 v0;
	v0 =	vadd.s32 @!p1 $0xFFFFFFFF, v1;
	v1 =	vmin.u32 @!p1 v2, $0x16E;
	v2 =	vnsel @!p1 vm0, $0x1, v7  }
0xc5: {  	[tilespmem:s28+$0xF40] =	vst @!p1 v0;
	v0 =	vadd.s32 @!p1 $0xFFFFFFFF, v1;
	v1 =	vmin.u32 @!p1 v2, $0x16E  }
0xc6: {  	[tilespmem:s28+$0xF50] =	vst @!p1 v0;
	v0 =	vadd.s32 @!p1 $0xFFFFFFFF, v1  }
0xc7: {  	s1 =	simm.s32 @!p1 $0x4;
	[tilespmem:s28+$0xF60] =	vst @!p1 v0  }
0xc8: {  	_ =	swait.ge @!p1 [sflag:s1], $0x4000  }
0xc9: {  	[sflag:s1] =	ssyncset.done @!p1 $0x0  }
0xca: {  	s31 =	sadd.s32 @!p1 $0xEF0, s28;
	[sflag:s1] =	ssyncadd.s32 @!p1 $0xFFFFC000;
	s1 =	simm.s32 @!p1 $0xEF70  }
0xcb: {  	[tilespmem:s1], [sflag:$0x1] =	stream.indirect.gather @!p1 [spmem:s3], $0x80, s31, s29, $0xb8;
	[tilespmem:$0x1AF70] =	vst v63  }
0xcc: {  	_ =	swait.ge [sflag:s22], $0x4000  }
0xcd: {  	[sflag:s22] =	ssyncset.done $0x0  }
0xce: {  	s31 =	sadd.s32 $0x1800, s30;
	s1 =	simm.s32 @p1 $0x5;
	[sflag:s22] =	ssyncadd.s32 $0xFFFFC000  }
0xcf: {  	[hbm4b:s31+s4] =	stream.linear.scatter [tilespmem:s19], [sflag:$0x5], $0x4000, $0x38;
	[tilespmem:$0x1AF70] =	vst v63  }
0xd0: {  	_ =	swait.ge @p1 [sflag:s1], $0x4000  }
0xd1: {  	[sflag:s1] =	ssyncset.done @p1 $0x0  }
0xd2: {  	[sflag:s1] =	ssyncadd.s32 @p1 $0xFFFFC000  }
0xd3: {  	v0 =	vld @!p1 [tilespmem:s28+$0xF70]  }
0xd4: {  	v1 =	vld @!p1 [tilespmem:s28+$0xF80]  }
0xd5: {  	v2 =	vld @!p1 [tilespmem:s28+$0xF90]  }
0xd6: {  	v3 =	vld @!p1 [tilespmem:s28+$0xFA0]  }
0xd7: {  	v4 =	vld @!p1 [tilespmem:s28+$0xFB0];
	_ =	sdelay $0x2  }
0xd8: {  	vm0 =	vgt.s32 @!p1 v0, $0x1;
	vm1 =	vgt.s32 @!p1 v1, $0x1  }
0xd9: {  	v5 =	vld @!p1 [tilespmem:s28+$0xFC0];
	v0 =	vnsel @!p1 vm0, $0x1, v0;
	v1 =	vnsel @!p1 vm1, $0x1, v1;
	vm0 =	vgt.s32 @!p1 v2, $0x1  }
0xda: {  	v6 =	vld @!p1 [tilespmem:s28+$0xFD0];
	vm1 =	vgt.s32 @!p1 v4, $0x1;
	v2 =	vnsel @!p1 vm0, $0x1, v2;
	vm0 =	vgt.s32 @!p1 v3, $0x1  }
0xdb: {  	v7 =	vld @!p1 [tilespmem:s28+$0xFE0];
	v0 =	vmin.u32 @!p1 v0, $0x16E;
	v4 =	vnsel @!p1 vm1, $0x1, v4;
	v1 =	vmin.u32 @!p1 v1, $0x16E  }
0xdc: {  	v3 =	vnsel @!p1 vm0, $0x1, v3;
	v0 =	vadd.s32 @!p1 $0xFFFFFFFF, v0;
	v2 =	vmin.u32 @!p1 v2, $0x16E  }
0xdd: {  	[tilespmem:s28+$0xF70] =	vst @!p1 v0;
	v0 =	vadd.s32 @!p1 $0xFFFFFFFF, v1;
	v1 =	vadd.s32 @!p1 $0xFFFFFFFF, v2;
	v2 =	vmin.u32 @!p1 v3, $0x16E  }
0xde: {  	vm0 =	vgt.s32 @!p1 v5, $0x1;
	[tilespmem:s28+$0xF80] =	vst @!p1 v0;
	v0 =	vadd.s32 @!p1 $0xFFFFFFFF, v2;
	v2 =	vmin.u32 @!p1 v4, $0x16E  }
0xdf: {  	[tilespmem:s28+$0xF90] =	vst @!p1 v1;
	v1 =	vadd.s32 @!p1 $0xFFFFFFFF, v2;
	v2 =	vnsel @!p1 vm0, $0x1, v5;
	vm0 =	vgt.s32 @!p1 v6, $0x1  }
0xe0: {  	[tilespmem:s28+$0xFA0] =	vst @!p1 v0;
	v0 =	vmin.u32 @!p1 v2, $0x16E;
	v2 =	vnsel @!p1 vm0, $0x1, v6;
	vm0 =	vgt.s32 @!p1 v7, $0x1  }
0xe1: {  	[tilespmem:s28+$0xFB0] =	vst @!p1 v1;
	v1 =	vnsel @!p1 vm0, $0x1, v7;
	v0 =	vadd.s32 @!p1 $0xFFFFFFFF, v0;
	v2 =	vmin.u32 @!p1 v2, $0x16E  }
0xe2: {  	[tilespmem:s28+$0xFC0] =	vst @!p1 v0;
	v0 =	vadd.s32 @!p1 $0xFFFFFFFF, v2;
	v1 =	vmin.u32 @!p1 v1, $0x16E  }
0xe3: {  	[tilespmem:s28+$0xFD0] =	vst @!p1 v0;
	v0 =	vadd.s32 @!p1 $0xFFFFFFFF, v1  }
0xe4: {  	s1 =	simm.s32 @!p1 $0x5;
	[tilespmem:s28+$0xFE0] =	vst @!p1 v0  }
0xe5: {  	_ =	swait.ge @!p1 [sflag:s1], $0x4000  }
0xe6: {  	[sflag:s1] =	ssyncset.done @!p1 $0x0  }
0xe7: {  	s28 =	sadd.s32 @!p1 $0xF70, s28;
	[sflag:s1] =	ssyncadd.s32 @!p1 $0xFFFFC000;
	s1 =	simm.s32 @!p1 $0x12F70  }
0xe8: {  	[tilespmem:s1], [sflag:$0x1] =	stream.indirect.gather @!p1 [spmem:s3], $0x80, s28, s29, $0xb8;
	[tilespmem:$0x1AF70] =	vst v63  }
.Ltmp2:
0xe9: {  	_ = 	snop;
	(pc) =	sbr.rel @p1 .LBB2_4-.Ltmp2, $4  }
0xea: {  	_ =	swait.ge [sflag:s22], $0x4000  }
0xeb: {  	[sflag:s22] =	ssyncset.done $0x0  }
0xec: {  	s31 =	sadd.s32 $0x2000, s30;
	[sflag:s22] =	ssyncadd.s32 $0xFFFFC000  }
0xed: {  	[hbm4b:s31+s4] =	stream.linear.scatter [tilespmem:s21], [sflag:$0x6], $0x4000, $0x38;
	[tilespmem:$0x1AF70] =	vst v63  }
0xee: {  	s1 =	sshra.s32 s26, $0x2  }
0xef: {  	v0 =	vld [tilespmem:s1+$0xFF0]  }
0xf0: {  	v1 =	vld [tilespmem:s1+$0x1000]  }
0xf1: {  	v2 =	vld [tilespmem:s1+$0x1010]  }
0xf2: {  	v3 =	vld [tilespmem:s1+$0x1020]  }
0xf3: {  	v4 =	vld [tilespmem:s1+$0x1030]  }
0xf4: {  	v5 =	vld [tilespmem:s1+$0x1040]  }
0xf5: {  	v6 =	vld [tilespmem:s1+$0x1050]  }
0xf6: {  	v7 =	vld [tilespmem:s1+$0x1060];
	_ =	sdelay $0x1  }
0xf7: {  	vm0 =	vgt.s32 v0, $0x1;
	vm1 =	vgt.s32 v1, $0x1  }
0xf8: {  	vm10 =	vgt.s32 v2, $0x1;
	vm11 =	vgt.s32 v3, $0x1;
	vm12 =	vgt.s32 v4, $0x1  }
0xf9: {  	vm13 =	vgt.s32 v5, $0x1;
	vm14 =	vgt.s32 v6, $0x1;
	v0 =	vnsel vm0, $0x1, v0  }
0xfa: {  	vm15 =	vgt.s32 v7, $0x1;
	v1 =	vnsel vm1, $0x1, v1;
	v0 =	vmin.u32 v0, $0x16E  }
0xfb: {  	v2 =	vnsel vm10, $0x1, v2;
	v1 =	vmin.u32 v1, $0x16E;
	v0 =	vadd.s32 $0xFFFFFFFF, v0  }
0xfc: {  	v3 =	vnsel vm11, $0x1, v3;
	v2 =	vmin.u32 v2, $0x16E;
	v52 =	vadd.s32 $0xFFFFFFFF, v1;
	[tilespmem:s1+$0xFF0] =	vst v0  }
0xfd: {  	v4 =	vnsel vm12, $0x1, v4;
	v54 =	vmin.u32 v3, $0x16E;
	v53 =	vadd.s32 $0xFFFFFFFF, v2;
	[tilespmem:s1+$0x1000] =	vst v52  }
0xfe: {  	v58 =	vnsel vm13, $0x1, v5;
	v56 =	vmin.u32 v4, $0x16E;
	v55 =	vadd.s32 $0xFFFFFFFF, v54;
	[tilespmem:s1+$0x1010] =	vst v53  }
0xff: {  	v60 =	vnsel vm14, $0x1, v6;
	v59 =	vmin.u32 v58, $0x16E;
	v57 =	vadd.s32 $0xFFFFFFFF, v56;
	[tilespmem:s1+$0x1020] =	vst v55  }
0x100: {  	v61 =	vnsel vm15, $0x1, v7;
	v2 =	vmin.u32 v60, $0x16E;
	[tilespmem:s1+$0x1030] =	vst v57;
	v0 =	vadd.s32 $0xFFFFFFFF, v59  }
0x101: {  	v1 =	vmin.u32 v61, $0x16E;
	v62 =	vadd.s32 $0xFFFFFFFF, v2;
	[tilespmem:s1+$0x1040] =	vst v0  }
0x102: {  	v63 =	vadd.s32 $0xFFFFFFFF, v1;
	[tilespmem:s1+$0x1050] =	vst v62  }
.Ltmp3:
0x103: {  	[tilespmem:s1+$0x1060] =	vst v63;
	(pc) =	sbr.rel .LBB2_2-.Ltmp3, $4  }
0x104: {  	_ =	swait.ge [sflag:s23], $0x4000  }
0x105: {  	s26 =	sadd.s32 $0xA00, s26;
	[sflag:s23] =	ssyncset.done $0x0  }
0x106: {  	s25 =	sadd.s32 $0x2800, s25;
	s1 =	sadd.s32 $0xFF0, s1;
	[sflag:s23] =	ssyncadd.s32 $0xFFFFC000  }
0x107: {  	[tilespmem:s21], [sflag:$0x1] =	stream.indirect.gather [spmem:s3], $0x80, s1, s12, $0xb8;
	[tilespmem:$0x1AF70] =	vst v63  }
.LBB2_5:
0x108: {  	_ =	sfence.sel $0x180000  }
0x109: {  	[bflag:$0x0] =	sbarrier.arrive $0xFFFF  }
0x10a: {  	_ =	strace $0x90000047  }
0x10b: {  	[bflag:$0x2] =	sbarrier.arrive $0xFFFF  }
0x10c: {  	s0 =	rddreg [dreg:$0x4]  }
0x10d: {  	s0 =	sadd.s32 @!p0 $0x100000, s0  }
0x10e: {  	[sflag:s0] =	ssyncadd.tile.s32 @!p0 $0x1;
	_ =	shalt  }
.Lfunc_end2:
_tile_overlayer_lowered:
.L_overlay_start_2:
0x10f: {  	(tag) =	ssettag $0x2  }
0x110: {  	s0 =	rddreg [dreg:$0x0];
	s2 =	stileid.u32  }
0x111: {  	s1 =	rddreg [dreg:$0x1];
	p0 =	sne.s32 s2, $0x0  }
0x112: {  	s3 =	rddreg [dreg:$0x2];
	[bflag:$0x3] =	sbarrier.arrive $0xFFFF;
	s2 =	simm.s32 @!p0 $0x1C07  }
0x113: {  	[timem:s3], [sflag:s2] =	dma.local @!p0 [hbm:s0], s1  }
0x114: {  	s0 =	simm.s32 @!p0 $0x7  }
0x115: {  	_ =	swait.ge @!p0 [sflag:s0], s1  }
0x116: {  	s1 =	ssub.s32 @!p0 $0x0, s1;
	[sflag:s0] =	ssyncset.done @!p0 $0x0  }
0x117: {  	[sflag:s0] =	ssyncadd.s32 @!p0 s1  }
0x118: {  	[bflag:$0x3] =	sbarrier.arrive $0xFFFF  }
0x119: {  	_ =	shalt  }

</sc_bundles>
